<compile_context>
chip_gen: v7x
topology: tpu7x:2x2x1
jax: 0.10.2.dev20260603
libtpu: 0.0.44.dev20260713+nightly
codegen_flags: <defaults>
</compile_context>

<pallas_src>
import functools

import jax
import jax.numpy as jnp
from jax import lax
from jax.experimental import pallas as pl
from jax.experimental.pallas import tpu as pltpu
from jax.experimental.pallas import tpu_sc as plsc

_CH = 128
_NSEM = 4


@functools.lru_cache(maxsize=None)
def _build(batch, emb, n_users, n_items):
    info = plsc.get_sparse_core_info()
    nw = info.num_cores * info.num_subcores
    lanes = info.num_lanes
    b_per_w = batch // nw
    assert b_per_w * nw == batch and b_per_w % _CH == 0 and _CH % lanes == 0
    nch = b_per_w // _CH

    mesh = plsc.VectorSubcoreMesh(core_axis_name="c", subcore_axis_name="s")

    @functools.partial(
        pl.kernel,
        mesh=mesh,
        compiler_params=pltpu.CompilerParams(use_tc_tiling_on_sc=True),
        out_type=(
            jax.ShapeDtypeStruct((batch, emb), jnp.float32),
            jax.ShapeDtypeStruct((batch, emb), jnp.float32),
        ),
        scratch_types=[
            pltpu.VMEM((b_per_w,), jnp.int32),
            pltpu.VMEM((b_per_w,), jnp.int32),
            pltpu.VMEM((_CH, emb), jnp.float32),
            pltpu.VMEM((_CH, emb), jnp.float32),
            pltpu.VMEM_SHARED((info.num_subcores, _CH, emb), jnp.float32),
            [pltpu.SemaphoreType.DMA] * _NSEM,
            [pltpu.SemaphoreType.DMA] * _NSEM,
            pltpu.SemaphoreType.DMA,
        ],
    )
    def k(user_hbm, item_hbm, ut_hbm, it_hbm, uout, iout,
          uidx, iidx, urows, irows, ispm, usems, isems, wsem):
        sid = lax.axis_index("s")
        wid = sid * info.num_cores + lax.axis_index("c")
        base = wid * b_per_w
        pltpu.sync_copy(user_hbm.at[pl.ds(base, b_per_w)], uidx)
        pltpu.sync_copy(item_hbm.at[pl.ds(base, b_per_w)], iidx)

        def chunk(c, carry):
            def rbody(j, carry2):
                b = j * lanes
                uv = uidx[pl.ds(c * _CH + b, lanes)]
                iv = iidx[pl.ds(c * _CH + b, lanes)]
                for kk in range(lanes):
                    pltpu.async_copy(ut_hbm.at[uv[kk]],
                                     urows.at[b + kk], usems[kk % _NSEM])
                    pltpu.async_copy(it_hbm.at[iv[kk]],
                                     ispm.at[sid, b + kk], isems[kk % _NSEM])
                return carry2

            lax.fori_loop(0, _CH // lanes, rbody, 0)

            def rdrain(j, carry2):
                for s in range(_NSEM):
                    pltpu.make_async_copy(ut_hbm.at[0], urows.at[0],
                                          usems[s]).wait()
                    pltpu.make_async_copy(it_hbm.at[0],
                                          ispm.at[0, 0], isems[s]).wait()
                return carry2

            lax.fori_loop(0, _CH // _NSEM, rdrain, 0)

            pltpu.sync_copy(ispm.at[sid], irows)

            cbase = base + c * _CH
            ucp = pltpu.make_async_copy(
                urows, uout.at[pl.ds(cbase, _CH)], wsem)
            icp = pltpu.make_async_copy(
                irows, iout.at[pl.ds(cbase, _CH)], wsem)
            ucp.start()
            icp.start()
            ucp.wait()
            icp.wait()
            return carry

        lax.fori_loop(0, nch, chunk, 0)

    return k


def kernel(user, item, user_table, item_table):
    batch, = user.shape
    n_users, emb = user_table.shape
    n_items, _ = item_table.shape
    k = _build(batch, emb, n_users, n_items)
    return k(user, item, user_table, item_table)

# --- scband reference (transcript-rebuilt; emitter-appended) ---
"""Pipeline reference for scband-bprmodule-72413148610820 (READ-ONLY COPY).

The authoritative reference and input builder live on the scoring server;
editing this copy changes nothing except your own understanding.
"""

import jax, jax.numpy as jnp
import numpy as np

N_USERS = 1000000
N_ITEMS = 1000000
EMB = 64
BATCH = 16384


def _xavier_normal(key, shape):
    fan_out, fan_in = shape[1], shape[0]
    std = (2.0 / (fan_in + fan_out)) ** 0.5
    return (jax.random.normal(key, shape, dtype=jnp.float32) * std).astype(jnp.float32)


def setup_inputs(seed: int = 0) -> dict:
    key = jax.random.key(seed)
    ku, ki, kw1, kw2 = jax.random.split(key, 4)
    user = jax.random.randint(ku, (BATCH,), 0, N_USERS, dtype=jnp.int32)
    item = jax.random.randint(ki, (BATCH,), 0, N_ITEMS, dtype=jnp.int32)
    user_table = _xavier_normal(kw1, (N_USERS, EMB))
    item_table = _xavier_normal(kw2, (N_ITEMS, EMB))
    return {"user": user, "item": item, "user_table": user_table, "item_table": item_table}


def reference(user, item, user_table, item_table):
    # _BPRModule.forward: two embedding lookups (gathers)
    user_e = jnp.take(user_table, user, axis=0)
    item_e = jnp.take(item_table, item, axis=0)
    return (user_e, item_e)

if __name__ == "__main__":
    import jax
    _d = setup_inputs()
    print(jax.jit(kernel)(*tuple(_d.values())))

</pallas_src>

<mosaic_0001>
#map = affine_map<(d0, d1) -> (0)>
#map1 = affine_map<(d0, d1) -> (0, 0)>
module attributes {stable_mosaic.version = 14 : i64} {
  func.func @k(%arg0: i32, %arg1: i32, %arg2: memref<16384xi32, #tpu.memory_space<hbm>>, %arg3: memref<16384xi32, #tpu.memory_space<hbm>>, %arg4: memref<1000000x64xf32, #tpu.memory_space<hbm>>, %arg5: memref<1000000x64xf32, #tpu.memory_space<hbm>>, %arg6: memref<16384x64xf32, #tpu.memory_space<hbm>>, %arg7: memref<16384x64xf32, #tpu.memory_space<hbm>>, %arg8: memref<512xi32, #tpu.memory_space<vmem>>, %arg9: memref<512xi32, #tpu.memory_space<vmem>>, %arg10: memref<128x64xf32, #tpu.memory_space<vmem>>, %arg11: memref<128x64xf32, #tpu.memory_space<vmem>>, %arg12: memref<16x128x64xf32, #tpu.memory_space<vmem_shared>>, %arg13: memref<!tpu.dma_semaphore, #tpu.memory_space<semaphore_mem>>, %arg14: memref<!tpu.dma_semaphore, #tpu.memory_space<semaphore_mem>>, %arg15: memref<!tpu.dma_semaphore, #tpu.memory_space<semaphore_mem>>, %arg16: memref<!tpu.dma_semaphore, #tpu.memory_space<semaphore_mem>>, %arg17: memref<!tpu.dma_semaphore, #tpu.memory_space<semaphore_mem>>, %arg18: memref<!tpu.dma_semaphore, #tpu.memory_space<semaphore_mem>>, %arg19: memref<!tpu.dma_semaphore, #tpu.memory_space<semaphore_mem>>, %arg20: memref<!tpu.dma_semaphore, #tpu.memory_space<semaphore_mem>>, %arg21: memref<!tpu.dma_semaphore, #tpu.memory_space<semaphore_mem>>) attributes {dimension_semantics = [#tpu.dimension_semantics<core_parallel>, #tpu.dimension_semantics<subcore_parallel>], iteration_bounds = array<i64: 2, 16>, scalar_prefetch = 0 : i64, scratch_operands = 14 : i64, tpu.core_type = #tpu.core_type<sc_vector_subcore>, window_params = [{transform_indices = #map}, {transform_indices = #map}, {transform_indices = #map1}, {transform_indices = #map1}, {transform_indices = #map1}, {transform_indices = #map1}]} {
    %mul3A = arith.constant 2 : i32
    %mul3A_0 = arith.muli %arg1, %mul3A : i32
    %add3A = arith.addi %mul3A_0, %arg0 : i32
    %mul3A_1 = arith.constant 512 : i32
    %mul3A_2 = arith.muli %add3A, %mul3A_1 : i32
    "tpu.region"() ({
      %run_scoped3A = tpu.sem_alloc : memref<!tpu.dma_semaphore, #tpu.memory_space<semaphore_mem>>
      %dma_start3A = tpu.memref_slice %arg2[%mul3A_2] : memref<16384xi32, #tpu.memory_space<hbm>> -> memref<512xi32, #tpu.memory_space<hbm>>
      %dma_start3A_8 = tpu.memref_slice %arg2[%mul3A_2] : memref<16384xi32, #tpu.memory_space<hbm>> -> memref<512xi32, #tpu.memory_space<hbm>>
      tpu.enqueue_dma source(%dma_start3A_8 : memref<512xi32, #tpu.memory_space<hbm>>) target(%arg8 : memref<512xi32, #tpu.memory_space<vmem>>) target_semaphore(%run_scoped3A : memref<!tpu.dma_semaphore, #tpu.memory_space<semaphore_mem>>)
      %dma_wait3A = tpu.memref_slice %arg2[%mul3A_2] : memref<16384xi32, #tpu.memory_space<hbm>> -> memref<512xi32, #tpu.memory_space<hbm>>
      %dma_wait3A_9 = tpu.memref_slice %arg2[%mul3A_2] : memref<16384xi32, #tpu.memory_space<hbm>> -> memref<512xi32, #tpu.memory_space<hbm>>
      tpu.wait_dma2 semaphore(%run_scoped3A : memref<!tpu.dma_semaphore, #tpu.memory_space<semaphore_mem>>) src(%dma_wait3A_9 : memref<512xi32, #tpu.memory_space<hbm>>) dst(%arg8 : memref<512xi32, #tpu.memory_space<vmem>>)
      tpu.yield
    }) : () -> ()
    "tpu.region"() ({
      %run_scoped3A = tpu.sem_alloc : memref<!tpu.dma_semaphore, #tpu.memory_space<semaphore_mem>>
      %dma_start3A = tpu.memref_slice %arg3[%mul3A_2] : memref<16384xi32, #tpu.memory_space<hbm>> -> memref<512xi32, #tpu.memory_space<hbm>>
      %dma_start3A_8 = tpu.memref_slice %arg3[%mul3A_2] : memref<16384xi32, #tpu.memory_space<hbm>> -> memref<512xi32, #tpu.memory_space<hbm>>
      tpu.enqueue_dma source(%dma_start3A_8 : memref<512xi32, #tpu.memory_space<hbm>>) target(%arg9 : memref<512xi32, #tpu.memory_space<vmem>>) target_semaphore(%run_scoped3A : memref<!tpu.dma_semaphore, #tpu.memory_space<semaphore_mem>>)
      %dma_wait3A = tpu.memref_slice %arg3[%mul3A_2] : memref<16384xi32, #tpu.memory_space<hbm>> -> memref<512xi32, #tpu.memory_space<hbm>>
      %dma_wait3A_9 = tpu.memref_slice %arg3[%mul3A_2] : memref<16384xi32, #tpu.memory_space<hbm>> -> memref<512xi32, #tpu.memory_space<hbm>>
      tpu.wait_dma2 semaphore(%run_scoped3A : memref<!tpu.dma_semaphore, #tpu.memory_space<semaphore_mem>>) src(%dma_wait3A_9 : memref<512xi32, #tpu.memory_space<hbm>>) dst(%arg9 : memref<512xi32, #tpu.memory_space<vmem>>)
      tpu.yield
    }) : () -> ()
    %scan3A = arith.constant 0 : i32
    %scan3A_3 = arith.constant 0 : i32
    %scan3A_4 = arith.constant 4 : i32
    %scan3A_5 = arith.addi %scan3A_3, %scan3A_4 : i32
    %scan3A_6 = arith.constant 1 : i32
    scf.for %scan3A_8 = %scan3A_3 to %scan3A_5 step %scan3A_6  : i32 {
      %scan3A_9 = arith.constant 0 : i32
      %scan3A_10 = arith.constant 0 : i32
      %scan3A_11 = arith.constant 8 : i32
      %scan3A_12 = arith.addi %scan3A_10, %scan3A_11 : i32
      %scan3A_13 = arith.constant 1 : i32
      scf.for %scan3A_38 = %scan3A_10 to %scan3A_12 step %scan3A_13  : i32 {
        %mul3A_39 = arith.constant 16 : i32
        %mul3A_40 = arith.muli %scan3A_38, %mul3A_39 : i32
        %mul3A_41 = arith.constant 128 : i32
        %mul3A_42 = arith.muli %scan3A_8, %mul3A_41 : i32
        %add3A_43 = arith.addi %mul3A_42, %mul3A_40 : i32
        %get3A = arith.index_cast %add3A_43 : i32 to index
        %get3A_44 = tpu.vector_load %arg8[%get3A] {strides = array<i32>} : memref<512xi32, #tpu.memory_space<vmem>>, vector<16xi32>,
        %get3A_45 = vector.shape_cast %get3A_44 : vector<16xi32> to vector<16xi32>
        %mul3A_46 = arith.constant 128 : i32
        %mul3A_47 = arith.muli %scan3A_8, %mul3A_46 : i32
        %add3A_48 = arith.addi %mul3A_47, %mul3A_40 : i32
        %get3A_49 = arith.index_cast %add3A_48 : i32 to index
        %get3A_50 = tpu.vector_load %arg9[%get3A_49] {strides = array<i32>} : memref<512xi32, #tpu.memory_space<vmem>>, vector<16xi32>,
        %get3A_51 = vector.shape_cast %get3A_50 : vector<16xi32> to vector<16xi32>
        %slice3A = vector.extract_strided_slice %get3A_45 {offsets = [0], sizes = [1], strides = [1]} : vector<16xi32> to vector<1xi32>
        %squeeze3A = vector.extract %slice3A[0] : i32 from vector<1xi32>
        %add3A_52 = arith.constant 0 : i32
        %add3A_53 = arith.addi %mul3A_40, %add3A_52 : i32
        %dma_start3A_54 = arith.constant 0 : i32
        %dma_start3A_55 = tpu.memref_slice %arg10[%add3A_53, %dma_start3A_54] : memref<128x64xf32, #tpu.memory_space<vmem>> -> memref<1x64xf32, #tpu.memory_space<vmem>>
        %dma_start3A_56 = tpu.memref_squeeze %dma_start3A_55 : memref<1x64xf32, #tpu.memory_space<vmem>> -> memref<64xf32, #tpu.memory_space<vmem>>
        %dma_start3A_57 = arith.constant 0 : i32
        %dma_start3A_58 = tpu.memref_slice %arg4[%squeeze3A, %dma_start3A_57] : memref<1000000x64xf32, #tpu.memory_space<hbm>> -> memref<1x64xf32, #tpu.memory_space<hbm>>
        %dma_start3A_59 = tpu.memref_squeeze %dma_start3A_58 : memref<1x64xf32, #tpu.memory_space<hbm>> -> memref<64xf32, #tpu.memory_space<hbm>>
        %dma_start3A_60 = arith.constant 0 : i32
        %dma_start3A_61 = tpu.memref_slice %arg10[%add3A_53, %dma_start3A_60] : memref<128x64xf32, #tpu.memory_space<vmem>> -> memref<1x64xf32, #tpu.memory_space<vmem>>
        %dma_start3A_62 = tpu.memref_squeeze %dma_start3A_61 : memref<1x64xf32, #tpu.memory_space<vmem>> -> memref<64xf32, #tpu.memory_space<vmem>>
        %dma_start3A_63 = arith.constant 0 : i32
        %dma_start3A_64 = tpu.memref_slice %arg4[%squeeze3A, %dma_start3A_63] : memref<1000000x64xf32, #tpu.memory_space<hbm>> -> memref<1x64xf32, #tpu.memory_space<hbm>>
        %dma_start3A_65 = tpu.memref_squeeze %dma_start3A_64 : memref<1x64xf32, #tpu.memory_space<hbm>> -> memref<64xf32, #tpu.memory_space<hbm>>
        tpu.enqueue_dma source(%dma_start3A_65 : memref<64xf32, #tpu.memory_space<hbm>>) target(%dma_start3A_62 : memref<64xf32, #tpu.memory_space<vmem>>) target_semaphore(%arg13 : memref<!tpu.dma_semaphore, #tpu.memory_space<semaphore_mem>>)
        %slice3A_66 = vector.extract_strided_slice %get3A_51 {offsets = [0], sizes = [1], strides = [1]} : vector<16xi32> to vector<1xi32>
        %squeeze3A_67 = vector.extract %slice3A_66[0] : i32 from vector<1xi32>
        %add3A_68 = arith.constant 0 : i32
        %add3A_69 = arith.addi %mul3A_40, %add3A_68 : i32
        %dma_start3A_70 = arith.constant 0 : i32
        %dma_start3A_71 = tpu.memref_slice %arg12[%arg1, %add3A_69, %dma_start3A_70] : memref<16x128x64xf32, #tpu.memory_space<vmem_shared>> -> memref<1x1x64xf32, #tpu.memory_space<vmem_shared>>
        %dma_start3A_72 = tpu.memref_squeeze %dma_start3A_71 : memref<1x1x64xf32, #tpu.memory_space<vmem_shared>> -> memref<64xf32, #tpu.memory_space<vmem_shared>>
        %dma_start3A_73 = arith.constant 0 : i32
        %dma_start3A_74 = tpu.memref_slice %arg5[%squeeze3A_67, %dma_start3A_73] : memref<1000000x64xf32, #tpu.memory_space<hbm>> -> memref<1x64xf32, #tpu.memory_space<hbm>>
        %dma_start3A_75 = tpu.memref_squeeze %dma_start3A_74 : memref<1x64xf32, #tpu.memory_space<hbm>> -> memref<64xf32, #tpu.memory_space<hbm>>
        tpu.enqueue_dma source(%dma_start3A_75 : memref<64xf32, #tpu.memory_space<hbm>>) target(%dma_start3A_72 : memref<64xf32, #tpu.memory_space<vmem_shared>>) target_semaphore(%arg17 : memref<!tpu.dma_semaphore, #tpu.memory_space<semaphore_mem>>)
        %slice3A_76 = vector.extract_strided_slice %get3A_45 {offsets = [1], sizes = [1], strides = [1]} : vector<16xi32> to vector<1xi32>
        %squeeze3A_77 = vector.extract %slice3A_76[0] : i32 from vector<1xi32>
        %add3A_78 = arith.constant 1 : i32
        %add3A_79 = arith.addi %mul3A_40, %add3A_78 : i32
        %dma_start3A_80 = arith.constant 0 : i32
        %dma_start3A_81 = tpu.memref_slice %arg10[%add3A_79, %dma_start3A_80] : memref<128x64xf32, #tpu.memory_space<vmem>> -> memref<1x64xf32, #tpu.memory_space<vmem>>
        %dma_start3A_82 = tpu.memref_squeeze %dma_start3A_81 : memref<1x64xf32, #tpu.memory_space<vmem>> -> memref<64xf32, #tpu.memory_space<vmem>>
        %dma_start3A_83 = arith.constant 0 : i32
        %dma_start3A_84 = tpu.memref_slice %arg4[%squeeze3A_77, %dma_start3A_83] : memref<1000000x64xf32, #tpu.memory_space<hbm>> -> memref<1x64xf32, #tpu.memory_space<hbm>>
        %dma_start3A_85 = tpu.memref_squeeze %dma_start3A_84 : memref<1x64xf32, #tpu.memory_space<hbm>> -> memref<64xf32, #tpu.memory_space<hbm>>
        %dma_start3A_86 = arith.constant 0 : i32
        %dma_start3A_87 = tpu.memref_slice %arg10[%add3A_79, %dma_start3A_86] : memref<128x64xf32, #tpu.memory_space<vmem>> -> memref<1x64xf32, #tpu.memory_space<vmem>>
        %dma_start3A_88 = tpu.memref_squeeze %dma_start3A_87 : memref<1x64xf32, #tpu.memory_space<vmem>> -> memref<64xf32, #tpu.memory_space<vmem>>
        %dma_start3A_89 = arith.constant 0 : i32
        %dma_start3A_90 = tpu.memref_slice %arg4[%squeeze3A_77, %dma_start3A_89] : memref<1000000x64xf32, #tpu.memory_space<hbm>> -> memref<1x64xf32, #tpu.memory_space<hbm>>
        %dma_start3A_91 = tpu.memref_squeeze %dma_start3A_90 : memref<1x64xf32, #tpu.memory_space<hbm>> -> memref<64xf32, #tpu.memory_space<hbm>>
        tpu.enqueue_dma source(%dma_start3A_91 : memref<64xf32, #tpu.memory_space<hbm>>) target(%dma_start3A_88 : memref<64xf32, #tpu.memory_space<vmem>>) target_semaphore(%arg14 : memref<!tpu.dma_semaphore, #tpu.memory_space<semaphore_mem>>)
        %slice3A_92 = vector.extract_strided_slice %get3A_51 {offsets = [1], sizes = [1], strides = [1]} : vector<16xi32> to vector<1xi32>
        %squeeze3A_93 = vector.extract %slice3A_92[0] : i32 from vector<1xi32>
        %add3A_94 = arith.constant 1 : i32
        %add3A_95 = arith.addi %mul3A_40, %add3A_94 : i32
        %dma_start3A_96 = arith.constant 0 : i32
        %dma_start3A_97 = tpu.memref_slice %arg12[%arg1, %add3A_95, %dma_start3A_96] : memref<16x128x64xf32, #tpu.memory_space<vmem_shared>> -> memref<1x1x64xf32, #tpu.memory_space<vmem_shared>>
        %dma_start3A_98 = tpu.memref_squeeze %dma_start3A_97 : memref<1x1x64xf32, #tpu.memory_space<vmem_shared>> -> memref<64xf32, #tpu.memory_space<vmem_shared>>
        %dma_start3A_99 = arith.constant 0 : i32
        %dma_start3A_100 = tpu.memref_slice %arg5[%squeeze3A_93, %dma_start3A_99] : memref<1000000x64xf32, #tpu.memory_space<hbm>> -> memref<1x64xf32, #tpu.memory_space<hbm>>
        %dma_start3A_101 = tpu.memref_squeeze %dma_start3A_100 : memref<1x64xf32, #tpu.memory_space<hbm>> -> memref<64xf32, #tpu.memory_space<hbm>>
        tpu.enqueue_dma source(%dma_start3A_101 : memref<64xf32, #tpu.memory_space<hbm>>) target(%dma_start3A_98 : memref<64xf32, #tpu.memory_space<vmem_shared>>) target_semaphore(%arg18 : memref<!tpu.dma_semaphore, #tpu.memory_space<semaphore_mem>>)
        %slice3A_102 = vector.extract_strided_slice %get3A_45 {offsets = [2], sizes = [1], strides = [1]} : vector<16xi32> to vector<1xi32>
        %squeeze3A_103 = vector.extract %slice3A_102[0] : i32 from vector<1xi32>
        %add3A_104 = arith.constant 2 : i32
        %add3A_105 = arith.addi %mul3A_40, %add3A_104 : i32
        %dma_start3A_106 = arith.constant 0 : i32
        %dma_start3A_107 = tpu.memref_slice %arg10[%add3A_105, %dma_start3A_106] : memref<128x64xf32, #tpu.memory_space<vmem>> -> memref<1x64xf32, #tpu.memory_space<vmem>>
        %dma_start3A_108 = tpu.memref_squeeze %dma_start3A_107 : memref<1x64xf32, #tpu.memory_space<vmem>> -> memref<64xf32, #tpu.memory_space<vmem>>
        %dma_start3A_109 = arith.constant 0 : i32
        %dma_start3A_110 = tpu.memref_slice %arg4[%squeeze3A_103, %dma_start3A_109] : memref<1000000x64xf32, #tpu.memory_space<hbm>> -> memref<1x64xf32, #tpu.memory_space<hbm>>
        %dma_start3A_111 = tpu.memref_squeeze %dma_start3A_110 : memref<1x64xf32, #tpu.memory_space<hbm>> -> memref<64xf32, #tpu.memory_space<hbm>>
        %dma_start3A_112 = arith.constant 0 : i32
        %dma_start3A_113 = tpu.memref_slice %arg10[%add3A_105, %dma_start3A_112] : memref<128x64xf32, #tpu.memory_space<vmem>> -> memref<1x64xf32, #tpu.memory_space<vmem>>
        %dma_start3A_114 = tpu.memref_squeeze %dma_start3A_113 : memref<1x64xf32, #tpu.memory_space<vmem>> -> memref<64xf32, #tpu.memory_space<vmem>>
        %dma_start3A_115 = arith.constant 0 : i32
        %dma_start3A_116 = tpu.memref_slice %arg4[%squeeze3A_103, %dma_start3A_115] : memref<1000000x64xf32, #tpu.memory_space<hbm>> -> memref<1x64xf32, #tpu.memory_space<hbm>>
        %dma_start3A_117 = tpu.memref_squeeze %dma_start3A_116 : memref<1x64xf32, #tpu.memory_space<hbm>> -> memref<64xf32, #tpu.memory_space<hbm>>
        tpu.enqueue_dma source(%dma_start3A_117 : memref<64xf32, #tpu.memory_space<hbm>>) target(%dma_start3A_114 : memref<64xf32, #tpu.memory_space<vmem>>) target_semaphore(%arg15 : memref<!tpu.dma_semaphore, #tpu.memory_space<semaphore_mem>>)
        %slice3A_118 = vector.extract_strided_slice %get3A_51 {offsets = [2], sizes = [1], strides = [1]} : vector<16xi32> to vector<1xi32>
        %squeeze3A_119 = vector.extract %slice3A_118[0] : i32 from vector<1xi32>
        %add3A_120 = arith.constant 2 : i32
        %add3A_121 = arith.addi %mul3A_40, %add3A_120 : i32
        %dma_start3A_122 = arith.constant 0 : i32
        %dma_start3A_123 = tpu.memref_slice %arg12[%arg1, %add3A_121, %dma_start3A_122] : memref<16x128x64xf32, #tpu.memory_space<vmem_shared>> -> memref<1x1x64xf32, #tpu.memory_space<vmem_shared>>
        %dma_start3A_124 = tpu.memref_squeeze %dma_start3A_123 : memref<1x1x64xf32, #tpu.memory_space<vmem_shared>> -> memref<64xf32, #tpu.memory_space<vmem_shared>>
        %dma_start3A_125 = arith.constant 0 : i32
        %dma_start3A_126 = tpu.memref_slice %arg5[%squeeze3A_119, %dma_start3A_125] : memref<1000000x64xf32, #tpu.memory_space<hbm>> -> memref<1x64xf32, #tpu.memory_space<hbm>>
        %dma_start3A_127 = tpu.memref_squeeze %dma_start3A_126 : memref<1x64xf32, #tpu.memory_space<hbm>> -> memref<64xf32, #tpu.memory_space<hbm>>
        tpu.enqueue_dma source(%dma_start3A_127 : memref<64xf32, #tpu.memory_space<hbm>>) target(%dma_start3A_124 : memref<64xf32, #tpu.memory_space<vmem_shared>>) target_semaphore(%arg19 : memref<!tpu.dma_semaphore, #tpu.memory_space<semaphore_mem>>)
        %slice3A_128 = vector.extract_strided_slice %get3A_45 {offsets = [3], sizes = [1], strides = [1]} : vector<16xi32> to vector<1xi32>
        %squeeze3A_129 = vector.extract %slice3A_128[0] : i32 from vector<1xi32>
        %add3A_130 = arith.constant 3 : i32
        %add3A_131 = arith.addi %mul3A_40, %add3A_130 : i32
        %dma_start3A_132 = arith.constant 0 : i32
        %dma_start3A_133 = tpu.memref_slice %arg10[%add3A_131, %dma_start3A_132] : memref<128x64xf32, #tpu.memory_space<vmem>> -> memref<1x64xf32, #tpu.memory_space<vmem>>
        %dma_start3A_134 = tpu.memref_squeeze %dma_start3A_133 : memref<1x64xf32, #tpu.memory_space<vmem>> -> memref<64xf32, #tpu.memory_space<vmem>>
        %dma_start3A_135 = arith.constant 0 : i32
        %dma_start3A_136 = tpu.memref_slice %arg4[%squeeze3A_129, %dma_start3A_135] : memref<1000000x64xf32, #tpu.memory_space<hbm>> -> memref<1x64xf32, #tpu.memory_space<hbm>>
        %dma_start3A_137 = tpu.memref_squeeze %dma_start3A_136 : memref<1x64xf32, #tpu.memory_space<hbm>> -> memref<64xf32, #tpu.memory_space<hbm>>
        %dma_start3A_138 = arith.constant 0 : i32
        %dma_start3A_139 = tpu.memref_slice %arg10[%add3A_131, %dma_start3A_138] : memref<128x64xf32, #tpu.memory_space<vmem>> -> memref<1x64xf32, #tpu.memory_space<vmem>>
        %dma_start3A_140 = tpu.memref_squeeze %dma_start3A_139 : memref<1x64xf32, #tpu.memory_space<vmem>> -> memref<64xf32, #tpu.memory_space<vmem>>
        %dma_start3A_141 = arith.constant 0 : i32
        %dma_start3A_142 = tpu.memref_slice %arg4[%squeeze3A_129, %dma_start3A_141] : memref<1000000x64xf32, #tpu.memory_space<hbm>> -> memref<1x64xf32, #tpu.memory_space<hbm>>
        %dma_start3A_143 = tpu.memref_squeeze %dma_start3A_142 : memref<1x64xf32, #tpu.memory_space<hbm>> -> memref<64xf32, #tpu.memory_space<hbm>>
        tpu.enqueue_dma source(%dma_start3A_143 : memref<64xf32, #tpu.memory_space<hbm>>) target(%dma_start3A_140 : memref<64xf32, #tpu.memory_space<vmem>>) target_semaphore(%arg16 : memref<!tpu.dma_semaphore, #tpu.memory_space<semaphore_mem>>)
        %slice3A_144 = vector.extract_strided_slice %get3A_51 {offsets = [3], sizes = [1], strides = [1]} : vector<16xi32> to vector<1xi32>
        %squeeze3A_145 = vector.extract %slice3A_144[0] : i32 from vector<1xi32>
        %add3A_146 = arith.constant 3 : i32
        %add3A_147 = arith.addi %mul3A_40, %add3A_146 : i32
        %dma_start3A_148 = arith.constant 0 : i32
        %dma_start3A_149 = tpu.memref_slice %arg12[%arg1, %add3A_147, %dma_start3A_148] : memref<16x128x64xf32, #tpu.memory_space<vmem_shared>> -> memref<1x1x64xf32, #tpu.memory_space<vmem_shared>>
        %dma_start3A_150 = tpu.memref_squeeze %dma_start3A_149 : memref<1x1x64xf32, #tpu.memory_space<vmem_shared>> -> memref<64xf32, #tpu.memory_space<vmem_shared>>
        %dma_start3A_151 = arith.constant 0 : i32
        %dma_start3A_152 = tpu.memref_slice %arg5[%squeeze3A_145, %dma_start3A_151] : memref<1000000x64xf32, #tpu.memory_space<hbm>> -> memref<1x64xf32, #tpu.memory_space<hbm>>
        %dma_start3A_153 = tpu.memref_squeeze %dma_start3A_152 : memref<1x64xf32, #tpu.memory_space<hbm>> -> memref<64xf32, #tpu.memory_space<hbm>>
        tpu.enqueue_dma source(%dma_start3A_153 : memref<64xf32, #tpu.memory_space<hbm>>) target(%dma_start3A_150 : memref<64xf32, #tpu.memory_space<vmem_shared>>) target_semaphore(%arg20 : memref<!tpu.dma_semaphore, #tpu.memory_space<semaphore_mem>>)
        %slice3A_154 = vector.extract_strided_slice %get3A_45 {offsets = [4], sizes = [1], strides = [1]} : vector<16xi32> to vector<1xi32>
        %squeeze3A_155 = vector.extract %slice3A_154[0] : i32 from vector<1xi32>
        %add3A_156 = arith.constant 4 : i32
        %add3A_157 = arith.addi %mul3A_40, %add3A_156 : i32
        %dma_start3A_158 = arith.constant 0 : i32
        %dma_start3A_159 = tpu.memref_slice %arg10[%add3A_157, %dma_start3A_158] : memref<128x64xf32, #tpu.memory_space<vmem>> -> memref<1x64xf32, #tpu.memory_space<vmem>>
        %dma_start3A_160 = tpu.memref_squeeze %dma_start3A_159 : memref<1x64xf32, #tpu.memory_space<vmem>> -> memref<64xf32, #tpu.memory_space<vmem>>
        %dma_start3A_161 = arith.constant 0 : i32
        %dma_start3A_162 = tpu.memref_slice %arg4[%squeeze3A_155, %dma_start3A_161] : memref<1000000x64xf32, #tpu.memory_space<hbm>> -> memref<1x64xf32, #tpu.memory_space<hbm>>
        %dma_start3A_163 = tpu.memref_squeeze %dma_start3A_162 : memref<1x64xf32, #tpu.memory_space<hbm>> -> memref<64xf32, #tpu.memory_space<hbm>>
        %dma_start3A_164 = arith.constant 0 : i32
        %dma_start3A_165 = tpu.memref_slice %arg10[%add3A_157, %dma_start3A_164] : memref<128x64xf32, #tpu.memory_space<vmem>> -> memref<1x64xf32, #tpu.memory_space<vmem>>
        %dma_start3A_166 = tpu.memref_squeeze %dma_start3A_165 : memref<1x64xf32, #tpu.memory_space<vmem>> -> memref<64xf32, #tpu.memory_space<vmem>>
        %dma_start3A_167 = arith.constant 0 : i32
        %dma_start3A_168 = tpu.memref_slice %arg4[%squeeze3A_155, %dma_start3A_167] : memref<1000000x64xf32, #tpu.memory_space<hbm>> -> memref<1x64xf32, #tpu.memory_space<hbm>>
        %dma_start3A_169 = tpu.memref_squeeze %dma_start3A_168 : memref<1x64xf32, #tpu.memory_space<hbm>> -> memref<64xf32, #tpu.memory_space<hbm>>
        tpu.enqueue_dma source(%dma_start3A_169 : memref<64xf32, #tpu.memory_space<hbm>>) target(%dma_start3A_166 : memref<64xf32, #tpu.memory_space<vmem>>) target_semaphore(%arg13 : memref<!tpu.dma_semaphore, #tpu.memory_space<semaphore_mem>>)
        %slice3A_170 = vector.extract_strided_slice %get3A_51 {offsets = [4], sizes = [1], strides = [1]} : vector<16xi32> to vector<1xi32>
        %squeeze3A_171 = vector.extract %slice3A_170[0] : i32 from vector<1xi32>
        %add3A_172 = arith.constant 4 : i32
        %add3A_173 = arith.addi %mul3A_40, %add3A_172 : i32
        %dma_start3A_174 = arith.constant 0 : i32
        %dma_start3A_175 = tpu.memref_slice %arg12[%arg1, %add3A_173, %dma_start3A_174] : memref<16x128x64xf32, #tpu.memory_space<vmem_shared>> -> memref<1x1x64xf32, #tpu.memory_space<vmem_shared>>
        %dma_start3A_176 = tpu.memref_squeeze %dma_start3A_175 : memref<1x1x64xf32, #tpu.memory_space<vmem_shared>> -> memref<64xf32, #tpu.memory_space<vmem_shared>>
        %dma_start3A_177 = arith.constant 0 : i32
        %dma_start3A_178 = tpu.memref_slice %arg5[%squeeze3A_171, %dma_start3A_177] : memref<1000000x64xf32, #tpu.memory_space<hbm>> -> memref<1x64xf32, #tpu.memory_space<hbm>>
        %dma_start3A_179 = tpu.memref_squeeze %dma_start3A_178 : memref<1x64xf32, #tpu.memory_space<hbm>> -> memref<64xf32, #tpu.memory_space<hbm>>
        tpu.enqueue_dma source(%dma_start3A_179 : memref<64xf32, #tpu.memory_space<hbm>>) target(%dma_start3A_176 : memref<64xf32, #tpu.memory_space<vmem_shared>>) target_semaphore(%arg17 : memref<!tpu.dma_semaphore, #tpu.memory_space<semaphore_mem>>)
        %slice3A_180 = vector.extract_strided_slice %get3A_45 {offsets = [5], sizes = [1], strides = [1]} : vector<16xi32> to vector<1xi32>
        %squeeze3A_181 = vector.extract %slice3A_180[0] : i32 from vector<1xi32>
        %add3A_182 = arith.constant 5 : i32
        %add3A_183 = arith.addi %mul3A_40, %add3A_182 : i32
        %dma_start3A_184 = arith.constant 0 : i32
        %dma_start3A_185 = tpu.memref_slice %arg10[%add3A_183, %dma_start3A_184] : memref<128x64xf32, #tpu.memory_space<vmem>> -> memref<1x64xf32, #tpu.memory_space<vmem>>
        %dma_start3A_186 = tpu.memref_squeeze %dma_start3A_185 : memref<1x64xf32, #tpu.memory_space<vmem>> -> memref<64xf32, #tpu.memory_space<vmem>>
        %dma_start3A_187 = arith.constant 0 : i32
        %dma_start3A_188 = tpu.memref_slice %arg4[%squeeze3A_181, %dma_start3A_187] : memref<1000000x64xf32, #tpu.memory_space<hbm>> -> memref<1x64xf32, #tpu.memory_space<hbm>>
        %dma_start3A_189 = tpu.memref_squeeze %dma_start3A_188 : memref<1x64xf32, #tpu.memory_space<hbm>> -> memref<64xf32, #tpu.memory_space<hbm>>
        %dma_start3A_190 = arith.constant 0 : i32
        %dma_start3A_191 = tpu.memref_slice %arg10[%add3A_183, %dma_start3A_190] : memref<128x64xf32, #tpu.memory_space<vmem>> -> memref<1x64xf32, #tpu.memory_space<vmem>>
        %dma_start3A_192 = tpu.memref_squeeze %dma_start3A_191 : memref<1x64xf32, #tpu.memory_space<vmem>> -> memref<64xf32, #tpu.memory_space<vmem>>
        %dma_start3A_193 = arith.constant 0 : i32
        %dma_start3A_194 = tpu.memref_slice %arg4[%squeeze3A_181, %dma_start3A_193] : memref<1000000x64xf32, #tpu.memory_space<hbm>> -> memref<1x64xf32, #tpu.memory_space<hbm>>
        %dma_start3A_195 = tpu.memref_squeeze %dma_start3A_194 : memref<1x64xf32, #tpu.memory_space<hbm>> -> memref<64xf32, #tpu.memory_space<hbm>>
        tpu.enqueue_dma source(%dma_start3A_195 : memref<64xf32, #tpu.memory_space<hbm>>) target(%dma_start3A_192 : memref<64xf32, #tpu.memory_space<vmem>>) target_semaphore(%arg14 : memref<!tpu.dma_semaphore, #tpu.memory_space<semaphore_mem>>)
        %slice3A_196 = vector.extract_strided_slice %get3A_51 {offsets = [5], sizes = [1], strides = [1]} : vector<16xi32> to vector<1xi32>
        %squeeze3A_197 = vector.extract %slice3A_196[0] : i32 from vector<1xi32>
        %add3A_198 = arith.constant 5 : i32
        %add3A_199 = arith.addi %mul3A_40, %add3A_198 : i32
        %dma_start3A_200 = arith.constant 0 : i32
        %dma_start3A_201 = tpu.memref_slice %arg12[%arg1, %add3A_199, %dma_start3A_200] : memref<16x128x64xf32, #tpu.memory_space<vmem_shared>> -> memref<1x1x64xf32, #tpu.memory_space<vmem_shared>>
        %dma_start3A_202 = tpu.memref_squeeze %dma_start3A_201 : memref<1x1x64xf32, #tpu.memory_space<vmem_shared>> -> memref<64xf32, #tpu.memory_space<vmem_shared>>
        %dma_start3A_203 = arith.constant 0 : i32
        %dma_start3A_204 = tpu.memref_slice %arg5[%squeeze3A_197, %dma_start3A_203] : memref<1000000x64xf32, #tpu.memory_space<hbm>> -> memref<1x64xf32, #tpu.memory_space<hbm>>
        %dma_start3A_205 = tpu.memref_squeeze %dma_start3A_204 : memref<1x64xf32, #tpu.memory_space<hbm>> -> memref<64xf32, #tpu.memory_space<hbm>>
        tpu.enqueue_dma source(%dma_start3A_205 : memref<64xf32, #tpu.memory_space<hbm>>) target(%dma_start3A_202 : memref<64xf32, #tpu.memory_space<vmem_shared>>) target_semaphore(%arg18 : memref<!tpu.dma_semaphore, #tpu.memory_space<semaphore_mem>>)
        %slice3A_206 = vector.extract_strided_slice %get3A_45 {offsets = [6], sizes = [1], strides = [1]} : vector<16xi32> to vector<1xi32>
        %squeeze3A_207 = vector.extract %slice3A_206[0] : i32 from vector<1xi32>
        %add3A_208 = arith.constant 6 : i32
        %add3A_209 = arith.addi %mul3A_40, %add3A_208 : i32
        %dma_start3A_210 = arith.constant 0 : i32
        %dma_start3A_211 = tpu.memref_slice %arg10[%add3A_209, %dma_start3A_210] : memref<128x64xf32, #tpu.memory_space<vmem>> -> memref<1x64xf32, #tpu.memory_space<vmem>>
        %dma_start3A_212 = tpu.memref_squeeze %dma_start3A_211 : memref<1x64xf32, #tpu.memory_space<vmem>> -> memref<64xf32, #tpu.memory_space<vmem>>
        %dma_start3A_213 = arith.constant 0 : i32
        %dma_start3A_214 = tpu.memref_slice %arg4[%squeeze3A_207, %dma_start3A_213] : memref<1000000x64xf32, #tpu.memory_space<hbm>> -> memref<1x64xf32, #tpu.memory_space<hbm>>
        %dma_start3A_215 = tpu.memref_squeeze %dma_start3A_214 : memref<1x64xf32, #tpu.memory_space<hbm>> -> memref<64xf32, #tpu.memory_space<hbm>>
        %dma_start3A_216 = arith.constant 0 : i32
        %dma_start3A_217 = tpu.memref_slice %arg10[%add3A_209, %dma_start3A_216] : memref<128x64xf32, #tpu.memory_space<vmem>> -> memref<1x64xf32, #tpu.memory_space<vmem>>
        %dma_start3A_218 = tpu.memref_squeeze %dma_start3A_217 : memref<1x64xf32, #tpu.memory_space<vmem>> -> memref<64xf32, #tpu.memory_space<vmem>>
        %dma_start3A_219 = arith.constant 0 : i32
        %dma_start3A_220 = tpu.memref_slice %arg4[%squeeze3A_207, %dma_start3A_219] : memref<1000000x64xf32, #tpu.memory_space<hbm>> -> memref<1x64xf32, #tpu.memory_space<hbm>>
        %dma_start3A_221 = tpu.memref_squeeze %dma_start3A_220 : memref<1x64xf32, #tpu.memory_space<hbm>> -> memref<64xf32, #tpu.memory_space<hbm>>
        tpu.enqueue_dma source(%dma_start3A_221 : memref<64xf32, #tpu.memory_space<hbm>>) target(%dma_start3A_218 : memref<64xf32, #tpu.memory_space<vmem>>) target_semaphore(%arg15 : memref<!tpu.dma_semaphore, #tpu.memory_space<semaphore_mem>>)
        %slice3A_222 = vector.extract_strided_slice %get3A_51 {offsets = [6], sizes = [1], strides = [1]} : vector<16xi32> to vector<1xi32>
        %squeeze3A_223 = vector.extract %slice3A_222[0] : i32 from vector<1xi32>
        %add3A_224 = arith.constant 6 : i32
        %add3A_225 = arith.addi %mul3A_40, %add3A_224 : i32
        %dma_start3A_226 = arith.constant 0 : i32
        %dma_start3A_227 = tpu.memref_slice %arg12[%arg1, %add3A_225, %dma_start3A_226] : memref<16x128x64xf32, #tpu.memory_space<vmem_shared>> -> memref<1x1x64xf32, #tpu.memory_space<vmem_shared>>
        %dma_start3A_228 = tpu.memref_squeeze %dma_start3A_227 : memref<1x1x64xf32, #tpu.memory_space<vmem_shared>> -> memref<64xf32, #tpu.memory_space<vmem_shared>>
        %dma_start3A_229 = arith.constant 0 : i32
        %dma_start3A_230 = tpu.memref_slice %arg5[%squeeze3A_223, %dma_start3A_229] : memref<1000000x64xf32, #tpu.memory_space<hbm>> -> memref<1x64xf32, #tpu.memory_space<hbm>>
        %dma_start3A_231 = tpu.memref_squeeze %dma_start3A_230 : memref<1x64xf32, #tpu.memory_space<hbm>> -> memref<64xf32, #tpu.memory_space<hbm>>
        tpu.enqueue_dma source(%dma_start3A_231 : memref<64xf32, #tpu.memory_space<hbm>>) target(%dma_start3A_228 : memref<64xf32, #tpu.memory_space<vmem_shared>>) target_semaphore(%arg19 : memref<!tpu.dma_semaphore, #tpu.memory_space<semaphore_mem>>)
        %slice3A_232 = vector.extract_strided_slice %get3A_45 {offsets = [7], sizes = [1], strides = [1]} : vector<16xi32> to vector<1xi32>
        %squeeze3A_233 = vector.extract %slice3A_232[0] : i32 from vector<1xi32>
        %add3A_234 = arith.constant 7 : i32
        %add3A_235 = arith.addi %mul3A_40, %add3A_234 : i32
        %dma_start3A_236 = arith.constant 0 : i32
        %dma_start3A_237 = tpu.memref_slice %arg10[%add3A_235, %dma_start3A_236] : memref<128x64xf32, #tpu.memory_space<vmem>> -> memref<1x64xf32, #tpu.memory_space<vmem>>
        %dma_start3A_238 = tpu.memref_squeeze %dma_start3A_237 : memref<1x64xf32, #tpu.memory_space<vmem>> -> memref<64xf32, #tpu.memory_space<vmem>>
        %dma_start3A_239 = arith.constant 0 : i32
        %dma_start3A_240 = tpu.memref_slice %arg4[%squeeze3A_233, %dma_start3A_239] : memref<1000000x64xf32, #tpu.memory_space<hbm>> -> memref<1x64xf32, #tpu.memory_space<hbm>>
        %dma_start3A_241 = tpu.memref_squeeze %dma_start3A_240 : memref<1x64xf32, #tpu.memory_space<hbm>> -> memref<64xf32, #tpu.memory_space<hbm>>
        %dma_start3A_242 = arith.constant 0 : i32
        %dma_start3A_243 = tpu.memref_slice %arg10[%add3A_235, %dma_start3A_242] : memref<128x64xf32, #tpu.memory_space<vmem>> -> memref<1x64xf32, #tpu.memory_space<vmem>>
        %dma_start3A_244 = tpu.memref_squeeze %dma_start3A_243 : memref<1x64xf32, #tpu.memory_space<vmem>> -> memref<64xf32, #tpu.memory_space<vmem>>
        %dma_start3A_245 = arith.constant 0 : i32
        %dma_start3A_246 = tpu.memref_slice %arg4[%squeeze3A_233, %dma_start3A_245] : memref<1000000x64xf32, #tpu.memory_space<hbm>> -> memref<1x64xf32, #tpu.memory_space<hbm>>
        %dma_start3A_247 = tpu.memref_squeeze %dma_start3A_246 : memref<1x64xf32, #tpu.memory_space<hbm>> -> memref<64xf32, #tpu.memory_space<hbm>>
        tpu.enqueue_dma source(%dma_start3A_247 : memref<64xf32, #tpu.memory_space<hbm>>) target(%dma_start3A_244 : memref<64xf32, #tpu.memory_space<vmem>>) target_semaphore(%arg16 : memref<!tpu.dma_semaphore, #tpu.memory_space<semaphore_mem>>)
        %slice3A_248 = vector.extract_strided_slice %get3A_51 {offsets = [7], sizes = [1], strides = [1]} : vector<16xi32> to vector<1xi32>
        %squeeze3A_249 = vector.extract %slice3A_248[0] : i32 from vector<1xi32>
        %add3A_250 = arith.constant 7 : i32
        %add3A_251 = arith.addi %mul3A_40, %add3A_250 : i32
        %dma_start3A_252 = arith.constant 0 : i32
        %dma_start3A_253 = tpu.memref_slice %arg12[%arg1, %add3A_251, %dma_start3A_252] : memref<16x128x64xf32, #tpu.memory_space<vmem_shared>> -> memref<1x1x64xf32, #tpu.memory_space<vmem_shared>>
        %dma_start3A_254 = tpu.memref_squeeze %dma_start3A_253 : memref<1x1x64xf32, #tpu.memory_space<vmem_shared>> -> memref<64xf32, #tpu.memory_space<vmem_shared>>
        %dma_start3A_255 = arith.constant 0 : i32
        %dma_start3A_256 = tpu.memref_slice %arg5[%squeeze3A_249, %dma_start3A_255] : memref<1000000x64xf32, #tpu.memory_space<hbm>> -> memref<1x64xf32, #tpu.memory_space<hbm>>
        %dma_start3A_257 = tpu.memref_squeeze %dma_start3A_256 : memref<1x64xf32, #tpu.memory_space<hbm>> -> memref<64xf32, #tpu.memory_space<hbm>>
        tpu.enqueue_dma source(%dma_start3A_257 : memref<64xf32, #tpu.memory_space<hbm>>) target(%dma_start3A_254 : memref<64xf32, #tpu.memory_space<vmem_shared>>) target_semaphore(%arg20 : memref<!tpu.dma_semaphore, #tpu.memory_space<semaphore_mem>>)
        %slice3A_258 = vector.extract_strided_slice %get3A_45 {offsets = [8], sizes = [1], strides = [1]} : vector<16xi32> to vector<1xi32>
        %squeeze3A_259 = vector.extract %slice3A_258[0] : i32 from vector<1xi32>
        %add3A_260 = arith.constant 8 : i32
        %add3A_261 = arith.addi %mul3A_40, %add3A_260 : i32
        %dma_start3A_262 = arith.constant 0 : i32
        %dma_start3A_263 = tpu.memref_slice %arg10[%add3A_261, %dma_start3A_262] : memref<128x64xf32, #tpu.memory_space<vmem>> -> memref<1x64xf32, #tpu.memory_space<vmem>>
        %dma_start3A_264 = tpu.memref_squeeze %dma_start3A_263 : memref<1x64xf32, #tpu.memory_space<vmem>> -> memref<64xf32, #tpu.memory_space<vmem>>
        %dma_start3A_265 = arith.constant 0 : i32
        %dma_start3A_266 = tpu.memref_slice %arg4[%squeeze3A_259, %dma_start3A_265] : memref<1000000x64xf32, #tpu.memory_space<hbm>> -> memref<1x64xf32, #tpu.memory_space<hbm>>
        %dma_start3A_267 = tpu.memref_squeeze %dma_start3A_266 : memref<1x64xf32, #tpu.memory_space<hbm>> -> memref<64xf32, #tpu.memory_space<hbm>>
        %dma_start3A_268 = arith.constant 0 : i32
        %dma_start3A_269 = tpu.memref_slice %arg10[%add3A_261, %dma_start3A_268] : memref<128x64xf32, #tpu.memory_space<vmem>> -> memref<1x64xf32, #tpu.memory_space<vmem>>
        %dma_start3A_270 = tpu.memref_squeeze %dma_start3A_269 : memref<1x64xf32, #tpu.memory_space<vmem>> -> memref<64xf32, #tpu.memory_space<vmem>>
        %dma_start3A_271 = arith.constant 0 : i32
        %dma_start3A_272 = tpu.memref_slice %arg4[%squeeze3A_259, %dma_start3A_271] : memref<1000000x64xf32, #tpu.memory_space<hbm>> -> memref<1x64xf32, #tpu.memory_space<hbm>>
        %dma_start3A_273 = tpu.memref_squeeze %dma_start3A_272 : memref<1x64xf32, #tpu.memory_space<hbm>> -> memref<64xf32, #tpu.memory_space<hbm>>
        tpu.enqueue_dma source(%dma_start3A_273 : memref<64xf32, #tpu.memory_space<hbm>>) target(%dma_start3A_270 : memref<64xf32, #tpu.memory_space<vmem>>) target_semaphore(%arg13 : memref<!tpu.dma_semaphore, #tpu.memory_space<semaphore_mem>>)
        %slice3A_274 = vector.extract_strided_slice %get3A_51 {offsets = [8], sizes = [1], strides = [1]} : vector<16xi32> to vector<1xi32>
        %squeeze3A_275 = vector.extract %slice3A_274[0] : i32 from vector<1xi32>
        %add3A_276 = arith.constant 8 : i32
        %add3A_277 = arith.addi %mul3A_40, %add3A_276 : i32
        %dma_start3A_278 = arith.constant 0 : i32
        %dma_start3A_279 = tpu.memref_slice %arg12[%arg1, %add3A_277, %dma_start3A_278] : memref<16x128x64xf32, #tpu.memory_space<vmem_shared>> -> memref<1x1x64xf32, #tpu.memory_space<vmem_shared>>
        %dma_start3A_280 = tpu.memref_squeeze %dma_start3A_279 : memref<1x1x64xf32, #tpu.memory_space<vmem_shared>> -> memref<64xf32, #tpu.memory_space<vmem_shared>>
        %dma_start3A_281 = arith.constant 0 : i32
        %dma_start3A_282 = tpu.memref_slice %arg5[%squeeze3A_275, %dma_start3A_281] : memref<1000000x64xf32, #tpu.memory_space<hbm>> -> memref<1x64xf32, #tpu.memory_space<hbm>>
        %dma_start3A_283 = tpu.memref_squeeze %dma_start3A_282 : memref<1x64xf32, #tpu.memory_space<hbm>> -> memref<64xf32, #tpu.memory_space<hbm>>
        tpu.enqueue_dma source(%dma_start3A_283 : memref<64xf32, #tpu.memory_space<hbm>>) target(%dma_start3A_280 : memref<64xf32, #tpu.memory_space<vmem_shared>>) target_semaphore(%arg17 : memref<!tpu.dma_semaphore, #tpu.memory_space<semaphore_mem>>)
        %slice3A_284 = vector.extract_strided_slice %get3A_45 {offsets = [9], sizes = [1], strides = [1]} : vector<16xi32> to vector<1xi32>
        %squeeze3A_285 = vector.extract %slice3A_284[0] : i32 from vector<1xi32>
        %add3A_286 = arith.constant 9 : i32
        %add3A_287 = arith.addi %mul3A_40, %add3A_286 : i32
        %dma_start3A_288 = arith.constant 0 : i32
        %dma_start3A_289 = tpu.memref_slice %arg10[%add3A_287, %dma_start3A_288] : memref<128x64xf32, #tpu.memory_space<vmem>> -> memref<1x64xf32, #tpu.memory_space<vmem>>
        %dma_start3A_290 = tpu.memref_squeeze %dma_start3A_289 : memref<1x64xf32, #tpu.memory_space<vmem>> -> memref<64xf32, #tpu.memory_space<vmem>>
        %dma_start3A_291 = arith.constant 0 : i32
        %dma_start3A_292 = tpu.memref_slice %arg4[%squeeze3A_285, %dma_start3A_291] : memref<1000000x64xf32, #tpu.memory_space<hbm>> -> memref<1x64xf32, #tpu.memory_space<hbm>>
        %dma_start3A_293 = tpu.memref_squeeze %dma_start3A_292 : memref<1x64xf32, #tpu.memory_space<hbm>> -> memref<64xf32, #tpu.memory_space<hbm>>
        %dma_start3A_294 = arith.constant 0 : i32
        %dma_start3A_295 = tpu.memref_slice %arg10[%add3A_287, %dma_start3A_294] : memref<128x64xf32, #tpu.memory_space<vmem>> -> memref<1x64xf32, #tpu.memory_space<vmem>>
        %dma_start3A_296 = tpu.memref_squeeze %dma_start3A_295 : memref<1x64xf32, #tpu.memory_space<vmem>> -> memref<64xf32, #tpu.memory_space<vmem>>
        %dma_start3A_297 = arith.constant 0 : i32
        %dma_start3A_298 = tpu.memref_slice %arg4[%squeeze3A_285, %dma_start3A_297] : memref<1000000x64xf32, #tpu.memory_space<hbm>> -> memref<1x64xf32, #tpu.memory_space<hbm>>
        %dma_start3A_299 = tpu.memref_squeeze %dma_start3A_298 : memref<1x64xf32, #tpu.memory_space<hbm>> -> memref<64xf32, #tpu.memory_space<hbm>>
        tpu.enqueue_dma source(%dma_start3A_299 : memref<64xf32, #tpu.memory_space<hbm>>) target(%dma_start3A_296 : memref<64xf32, #tpu.memory_space<vmem>>) target_semaphore(%arg14 : memref<!tpu.dma_semaphore, #tpu.memory_space<semaphore_mem>>)
        %slice3A_300 = vector.extract_strided_slice %get3A_51 {offsets = [9], sizes = [1], strides = [1]} : vector<16xi32> to vector<1xi32>
        %squeeze3A_301 = vector.extract %slice3A_300[0] : i32 from vector<1xi32>
        %add3A_302 = arith.constant 9 : i32
        %add3A_303 = arith.addi %mul3A_40, %add3A_302 : i32
        %dma_start3A_304 = arith.constant 0 : i32
        %dma_start3A_305 = tpu.memref_slice %arg12[%arg1, %add3A_303, %dma_start3A_304] : memref<16x128x64xf32, #tpu.memory_space<vmem_shared>> -> memref<1x1x64xf32, #tpu.memory_space<vmem_shared>>
        %dma_start3A_306 = tpu.memref_squeeze %dma_start3A_305 : memref<1x1x64xf32, #tpu.memory_space<vmem_shared>> -> memref<64xf32, #tpu.memory_space<vmem_shared>>
        %dma_start3A_307 = arith.constant 0 : i32
        %dma_start3A_308 = tpu.memref_slice %arg5[%squeeze3A_301, %dma_start3A_307] : memref<1000000x64xf32, #tpu.memory_space<hbm>> -> memref<1x64xf32, #tpu.memory_space<hbm>>
        %dma_start3A_309 = tpu.memref_squeeze %dma_start3A_308 : memref<1x64xf32, #tpu.memory_space<hbm>> -> memref<64xf32, #tpu.memory_space<hbm>>
        tpu.enqueue_dma source(%dma_start3A_309 : memref<64xf32, #tpu.memory_space<hbm>>) target(%dma_start3A_306 : memref<64xf32, #tpu.memory_space<vmem_shared>>) target_semaphore(%arg18 : memref<!tpu.dma_semaphore, #tpu.memory_space<semaphore_mem>>)
        %slice3A_310 = vector.extract_strided_slice %get3A_45 {offsets = [10], sizes = [1], strides = [1]} : vector<16xi32> to vector<1xi32>
        %squeeze3A_311 = vector.extract %slice3A_310[0] : i32 from vector<1xi32>
        %add3A_312 = arith.constant 10 : i32
        %add3A_313 = arith.addi %mul3A_40, %add3A_312 : i32
        %dma_start3A_314 = arith.constant 0 : i32
        %dma_start3A_315 = tpu.memref_slice %arg10[%add3A_313, %dma_start3A_314] : memref<128x64xf32, #tpu.memory_space<vmem>> -> memref<1x64xf32, #tpu.memory_space<vmem>>
        %dma_start3A_316 = tpu.memref_squeeze %dma_start3A_315 : memref<1x64xf32, #tpu.memory_space<vmem>> -> memref<64xf32, #tpu.memory_space<vmem>>
        %dma_start3A_317 = arith.constant 0 : i32
        %dma_start3A_318 = tpu.memref_slice %arg4[%squeeze3A_311, %dma_start3A_317] : memref<1000000x64xf32, #tpu.memory_space<hbm>> -> memref<1x64xf32, #tpu.memory_space<hbm>>
        %dma_start3A_319 = tpu.memref_squeeze %dma_start3A_318 : memref<1x64xf32, #tpu.memory_space<hbm>> -> memref<64xf32, #tpu.memory_space<hbm>>
        %dma_start3A_320 = arith.constant 0 : i32
        %dma_start3A_321 = tpu.memref_slice %arg10[%add3A_313, %dma_start3A_320] : memref<128x64xf32, #tpu.memory_space<vmem>> -> memref<1x64xf32, #tpu.memory_space<vmem>>
        %dma_start3A_322 = tpu.memref_squeeze %dma_start3A_321 : memref<1x64xf32, #tpu.memory_space<vmem>> -> memref<64xf32, #tpu.memory_space<vmem>>
        %dma_start3A_323 = arith.constant 0 : i32
        %dma_start3A_324 = tpu.memref_slice %arg4[%squeeze3A_311, %dma_start3A_323] : memref<1000000x64xf32, #tpu.memory_space<hbm>> -> memref<1x64xf32, #tpu.memory_space<hbm>>
        %dma_start3A_325 = tpu.memref_squeeze %dma_start3A_324 : memref<1x64xf32, #tpu.memory_space<hbm>> -> memref<64xf32, #tpu.memory_space<hbm>>
        tpu.enqueue_dma source(%dma_start3A_325 : memref<64xf32, #tpu.memory_space<hbm>>) target(%dma_start3A_322 : memref<64xf32, #tpu.memory_space<vmem>>) target_semaphore(%arg15 : memref<!tpu.dma_semaphore, #tpu.memory_space<semaphore_mem>>)
        %slice3A_326 = vector.extract_strided_slice %get3A_51 {offsets = [10], sizes = [1], strides = [1]} : vector<16xi32> to vector<1xi32>
        %squeeze3A_327 = vector.extract %slice3A_326[0] : i32 from vector<1xi32>
        %add3A_328 = arith.constant 10 : i32
        %add3A_329 = arith.addi %mul3A_40, %add3A_328 : i32
        %dma_start3A_330 = arith.constant 0 : i32
        %dma_start3A_331 = tpu.memref_slice %arg12[%arg1, %add3A_329, %dma_start3A_330] : memref<16x128x64xf32, #tpu.memory_space<vmem_shared>> -> memref<1x1x64xf32, #tpu.memory_space<vmem_shared>>
        %dma_start3A_332 = tpu.memref_squeeze %dma_start3A_331 : memref<1x1x64xf32, #tpu.memory_space<vmem_shared>> -> memref<64xf32, #tpu.memory_space<vmem_shared>>
        %dma_start3A_333 = arith.constant 0 : i32
        %dma_start3A_334 = tpu.memref_slice %arg5[%squeeze3A_327, %dma_start3A_333] : memref<1000000x64xf32, #tpu.memory_space<hbm>> -> memref<1x64xf32, #tpu.memory_space<hbm>>
        %dma_start3A_335 = tpu.memref_squeeze %dma_start3A_334 : memref<1x64xf32, #tpu.memory_space<hbm>> -> memref<64xf32, #tpu.memory_space<hbm>>
        tpu.enqueue_dma source(%dma_start3A_335 : memref<64xf32, #tpu.memory_space<hbm>>) target(%dma_start3A_332 : memref<64xf32, #tpu.memory_space<vmem_shared>>) target_semaphore(%arg19 : memref<!tpu.dma_semaphore, #tpu.memory_space<semaphore_mem>>)
        %slice3A_336 = vector.extract_strided_slice %get3A_45 {offsets = [11], sizes = [1], strides = [1]} : vector<16xi32> to vector<1xi32>
        %squeeze3A_337 = vector.extract %slice3A_336[0] : i32 from vector<1xi32>
        %add3A_338 = arith.constant 11 : i32
        %add3A_339 = arith.addi %mul3A_40, %add3A_338 : i32
        %dma_start3A_340 = arith.constant 0 : i32
        %dma_start3A_341 = tpu.memref_slice %arg10[%add3A_339, %dma_start3A_340] : memref<128x64xf32, #tpu.memory_space<vmem>> -> memref<1x64xf32, #tpu.memory_space<vmem>>
        %dma_start3A_342 = tpu.memref_squeeze %dma_start3A_341 : memref<1x64xf32, #tpu.memory_space<vmem>> -> memref<64xf32, #tpu.memory_space<vmem>>
        %dma_start3A_343 = arith.constant 0 : i32
        %dma_start3A_344 = tpu.memref_slice %arg4[%squeeze3A_337, %dma_start3A_343] : memref<1000000x64xf32, #tpu.memory_space<hbm>> -> memref<1x64xf32, #tpu.memory_space<hbm>>
        %dma_start3A_345 = tpu.memref_squeeze %dma_start3A_344 : memref<1x64xf32, #tpu.memory_space<hbm>> -> memref<64xf32, #tpu.memory_space<hbm>>
        %dma_start3A_346 = arith.constant 0 : i32
        %dma_start3A_347 = tpu.memref_slice %arg10[%add3A_339, %dma_start3A_346] : memref<128x64xf32, #tpu.memory_space<vmem>> -> memref<1x64xf32, #tpu.memory_space<vmem>>
        %dma_start3A_348 = tpu.memref_squeeze %dma_start3A_347 : memref<1x64xf32, #tpu.memory_space<vmem>> -> memref<64xf32, #tpu.memory_space<vmem>>
        %dma_start3A_349 = arith.constant 0 : i32
        %dma_start3A_350 = tpu.memref_slice %arg4[%squeeze3A_337, %dma_start3A_349] : memref<1000000x64xf32, #tpu.memory_space<hbm>> -> memref<1x64xf32, #tpu.memory_space<hbm>>
        %dma_start3A_351 = tpu.memref_squeeze %dma_start3A_350 : memref<1x64xf32, #tpu.memory_space<hbm>> -> memref<64xf32, #tpu.memory_space<hbm>>
        tpu.enqueue_dma source(%dma_start3A_351 : memref<64xf32, #tpu.memory_space<hbm>>) target(%dma_start3A_348 : memref<64xf32, #tpu.memory_space<vmem>>) target_semaphore(%arg16 : memref<!tpu.dma_semaphore, #tpu.memory_space<semaphore_mem>>)
        %slice3A_352 = vector.extract_strided_slice %get3A_51 {offsets = [11], sizes = [1], strides = [1]} : vector<16xi32> to vector<1xi32>
        %squeeze3A_353 = vector.extract %slice3A_352[0] : i32 from vector<1xi32>
        %add3A_354 = arith.constant 11 : i32
        %add3A_355 = arith.addi %mul3A_40, %add3A_354 : i32
        %dma_start3A_356 = arith.constant 0 : i32
        %dma_start3A_357 = tpu.memref_slice %arg12[%arg1, %add3A_355, %dma_start3A_356] : memref<16x128x64xf32, #tpu.memory_space<vmem_shared>> -> memref<1x1x64xf32, #tpu.memory_space<vmem_shared>>
        %dma_start3A_358 = tpu.memref_squeeze %dma_start3A_357 : memref<1x1x64xf32, #tpu.memory_space<vmem_shared>> -> memref<64xf32, #tpu.memory_space<vmem_shared>>
        %dma_start3A_359 = arith.constant 0 : i32
        %dma_start3A_360 = tpu.memref_slice %arg5[%squeeze3A_353, %dma_start3A_359] : memref<1000000x64xf32, #tpu.memory_space<hbm>> -> memref<1x64xf32, #tpu.memory_space<hbm>>
        %dma_start3A_361 = tpu.memref_squeeze %dma_start3A_360 : memref<1x64xf32, #tpu.memory_space<hbm>> -> memref<64xf32, #tpu.memory_space<hbm>>
        tpu.enqueue_dma source(%dma_start3A_361 : memref<64xf32, #tpu.memory_space<hbm>>) target(%dma_start3A_358 : memref<64xf32, #tpu.memory_space<vmem_shared>>) target_semaphore(%arg20 : memref<!tpu.dma_semaphore, #tpu.memory_space<semaphore_mem>>)
        %slice3A_362 = vector.extract_strided_slice %get3A_45 {offsets = [12], sizes = [1], strides = [1]} : vector<16xi32> to vector<1xi32>
        %squeeze3A_363 = vector.extract %slice3A_362[0] : i32 from vector<1xi32>
        %add3A_364 = arith.constant 12 : i32
        %add3A_365 = arith.addi %mul3A_40, %add3A_364 : i32
        %dma_start3A_366 = arith.constant 0 : i32
        %dma_start3A_367 = tpu.memref_slice %arg10[%add3A_365, %dma_start3A_366] : memref<128x64xf32, #tpu.memory_space<vmem>> -> memref<1x64xf32, #tpu.memory_space<vmem>>
        %dma_start3A_368 = tpu.memref_squeeze %dma_start3A_367 : memref<1x64xf32, #tpu.memory_space<vmem>> -> memref<64xf32, #tpu.memory_space<vmem>>
        %dma_start3A_369 = arith.constant 0 : i32
        %dma_start3A_370 = tpu.memref_slice %arg4[%squeeze3A_363, %dma_start3A_369] : memref<1000000x64xf32, #tpu.memory_space<hbm>> -> memref<1x64xf32, #tpu.memory_space<hbm>>
        %dma_start3A_371 = tpu.memref_squeeze %dma_start3A_370 : memref<1x64xf32, #tpu.memory_space<hbm>> -> memref<64xf32, #tpu.memory_space<hbm>>
        %dma_start3A_372 = arith.constant 0 : i32
        %dma_start3A_373 = tpu.memref_slice %arg10[%add3A_365, %dma_start3A_372] : memref<128x64xf32, #tpu.memory_space<vmem>> -> memref<1x64xf32, #tpu.memory_space<vmem>>
        %dma_start3A_374 = tpu.memref_squeeze %dma_start3A_373 : memref<1x64xf32, #tpu.memory_space<vmem>> -> memref<64xf32, #tpu.memory_space<vmem>>
        %dma_start3A_375 = arith.constant 0 : i32
        %dma_start3A_376 = tpu.memref_slice %arg4[%squeeze3A_363, %dma_start3A_375] : memref<1000000x64xf32, #tpu.memory_space<hbm>> -> memref<1x64xf32, #tpu.memory_space<hbm>>
        %dma_start3A_377 = tpu.memref_squeeze %dma_start3A_376 : memref<1x64xf32, #tpu.memory_space<hbm>> -> memref<64xf32, #tpu.memory_space<hbm>>
        tpu.enqueue_dma source(%dma_start3A_377 : memref<64xf32, #tpu.memory_space<hbm>>) target(%dma_start3A_374 : memref<64xf32, #tpu.memory_space<vmem>>) target_semaphore(%arg13 : memref<!tpu.dma_semaphore, #tpu.memory_space<semaphore_mem>>)
        %slice3A_378 = vector.extract_strided_slice %get3A_51 {offsets = [12], sizes = [1], strides = [1]} : vector<16xi32> to vector<1xi32>
        %squeeze3A_379 = vector.extract %slice3A_378[0] : i32 from vector<1xi32>
        %add3A_380 = arith.constant 12 : i32
        %add3A_381 = arith.addi %mul3A_40, %add3A_380 : i32
        %dma_start3A_382 = arith.constant 0 : i32
        %dma_start3A_383 = tpu.memref_slice %arg12[%arg1, %add3A_381, %dma_start3A_382] : memref<16x128x64xf32, #tpu.memory_space<vmem_shared>> -> memref<1x1x64xf32, #tpu.memory_space<vmem_shared>>
        %dma_start3A_384 = tpu.memref_squeeze %dma_start3A_383 : memref<1x1x64xf32, #tpu.memory_space<vmem_shared>> -> memref<64xf32, #tpu.memory_space<vmem_shared>>
        %dma_start3A_385 = arith.constant 0 : i32
        %dma_start3A_386 = tpu.memref_slice %arg5[%squeeze3A_379, %dma_start3A_385] : memref<1000000x64xf32, #tpu.memory_space<hbm>> -> memref<1x64xf32, #tpu.memory_space<hbm>>
        %dma_start3A_387 = tpu.memref_squeeze %dma_start3A_386 : memref<1x64xf32, #tpu.memory_space<hbm>> -> memref<64xf32, #tpu.memory_space<hbm>>
        tpu.enqueue_dma source(%dma_start3A_387 : memref<64xf32, #tpu.memory_space<hbm>>) target(%dma_start3A_384 : memref<64xf32, #tpu.memory_space<vmem_shared>>) target_semaphore(%arg17 : memref<!tpu.dma_semaphore, #tpu.memory_space<semaphore_mem>>)
        %slice3A_388 = vector.extract_strided_slice %get3A_45 {offsets = [13], sizes = [1], strides = [1]} : vector<16xi32> to vector<1xi32>
        %squeeze3A_389 = vector.extract %slice3A_388[0] : i32 from vector<1xi32>
        %add3A_390 = arith.constant 13 : i32
        %add3A_391 = arith.addi %mul3A_40, %add3A_390 : i32
        %dma_start3A_392 = arith.constant 0 : i32
        %dma_start3A_393 = tpu.memref_slice %arg10[%add3A_391, %dma_start3A_392] : memref<128x64xf32, #tpu.memory_space<vmem>> -> memref<1x64xf32, #tpu.memory_space<vmem>>
        %dma_start3A_394 = tpu.memref_squeeze %dma_start3A_393 : memref<1x64xf32, #tpu.memory_space<vmem>> -> memref<64xf32, #tpu.memory_space<vmem>>
        %dma_start3A_395 = arith.constant 0 : i32
        %dma_start3A_396 = tpu.memref_slice %arg4[%squeeze3A_389, %dma_start3A_395] : memref<1000000x64xf32, #tpu.memory_space<hbm>> -> memref<1x64xf32, #tpu.memory_space<hbm>>
        %dma_start3A_397 = tpu.memref_squeeze %dma_start3A_396 : memref<1x64xf32, #tpu.memory_space<hbm>> -> memref<64xf32, #tpu.memory_space<hbm>>
        %dma_start3A_398 = arith.constant 0 : i32
        %dma_start3A_399 = tpu.memref_slice %arg10[%add3A_391, %dma_start3A_398] : memref<128x64xf32, #tpu.memory_space<vmem>> -> memref<1x64xf32, #tpu.memory_space<vmem>>
        %dma_start3A_400 = tpu.memref_squeeze %dma_start3A_399 : memref<1x64xf32, #tpu.memory_space<vmem>> -> memref<64xf32, #tpu.memory_space<vmem>>
        %dma_start3A_401 = arith.constant 0 : i32
        %dma_start3A_402 = tpu.memref_slice %arg4[%squeeze3A_389, %dma_start3A_401] : memref<1000000x64xf32, #tpu.memory_space<hbm>> -> memref<1x64xf32, #tpu.memory_space<hbm>>
        %dma_start3A_403 = tpu.memref_squeeze %dma_start3A_402 : memref<1x64xf32, #tpu.memory_space<hbm>> -> memref<64xf32, #tpu.memory_space<hbm>>
        tpu.enqueue_dma source(%dma_start3A_403 : memref<64xf32, #tpu.memory_space<hbm>>) target(%dma_start3A_400 : memref<64xf32, #tpu.memory_space<vmem>>) target_semaphore(%arg14 : memref<!tpu.dma_semaphore, #tpu.memory_space<semaphore_mem>>)
        %slice3A_404 = vector.extract_strided_slice %get3A_51 {offsets = [13], sizes = [1], strides = [1]} : vector<16xi32> to vector<1xi32>
        %squeeze3A_405 = vector.extract %slice3A_404[0] : i32 from vector<1xi32>
        %add3A_406 = arith.constant 13 : i32
        %add3A_407 = arith.addi %mul3A_40, %add3A_406 : i32
        %dma_start3A_408 = arith.constant 0 : i32
        %dma_start3A_409 = tpu.memref_slice %arg12[%arg1, %add3A_407, %dma_start3A_408] : memref<16x128x64xf32, #tpu.memory_space<vmem_shared>> -> memref<1x1x64xf32, #tpu.memory_space<vmem_shared>>
        %dma_start3A_410 = tpu.memref_squeeze %dma_start3A_409 : memref<1x1x64xf32, #tpu.memory_space<vmem_shared>> -> memref<64xf32, #tpu.memory_space<vmem_shared>>
        %dma_start3A_411 = arith.constant 0 : i32
        %dma_start3A_412 = tpu.memref_slice %arg5[%squeeze3A_405, %dma_start3A_411] : memref<1000000x64xf32, #tpu.memory_space<hbm>> -> memref<1x64xf32, #tpu.memory_space<hbm>>
        %dma_start3A_413 = tpu.memref_squeeze %dma_start3A_412 : memref<1x64xf32, #tpu.memory_space<hbm>> -> memref<64xf32, #tpu.memory_space<hbm>>
        tpu.enqueue_dma source(%dma_start3A_413 : memref<64xf32, #tpu.memory_space<hbm>>) target(%dma_start3A_410 : memref<64xf32, #tpu.memory_space<vmem_shared>>) target_semaphore(%arg18 : memref<!tpu.dma_semaphore, #tpu.memory_space<semaphore_mem>>)
        %slice3A_414 = vector.extract_strided_slice %get3A_45 {offsets = [14], sizes = [1], strides = [1]} : vector<16xi32> to vector<1xi32>
        %squeeze3A_415 = vector.extract %slice3A_414[0] : i32 from vector<1xi32>
        %add3A_416 = arith.constant 14 : i32
        %add3A_417 = arith.addi %mul3A_40, %add3A_416 : i32
        %dma_start3A_418 = arith.constant 0 : i32
        %dma_start3A_419 = tpu.memref_slice %arg10[%add3A_417, %dma_start3A_418] : memref<128x64xf32, #tpu.memory_space<vmem>> -> memref<1x64xf32, #tpu.memory_space<vmem>>
        %dma_start3A_420 = tpu.memref_squeeze %dma_start3A_419 : memref<1x64xf32, #tpu.memory_space<vmem>> -> memref<64xf32, #tpu.memory_space<vmem>>
        %dma_start3A_421 = arith.constant 0 : i32
        %dma_start3A_422 = tpu.memref_slice %arg4[%squeeze3A_415, %dma_start3A_421] : memref<1000000x64xf32, #tpu.memory_space<hbm>> -> memref<1x64xf32, #tpu.memory_space<hbm>>
        %dma_start3A_423 = tpu.memref_squeeze %dma_start3A_422 : memref<1x64xf32, #tpu.memory_space<hbm>> -> memref<64xf32, #tpu.memory_space<hbm>>
        %dma_start3A_424 = arith.constant 0 : i32
        %dma_start3A_425 = tpu.memref_slice %arg10[%add3A_417, %dma_start3A_424] : memref<128x64xf32, #tpu.memory_space<vmem>> -> memref<1x64xf32, #tpu.memory_space<vmem>>
        %dma_start3A_426 = tpu.memref_squeeze %dma_start3A_425 : memref<1x64xf32, #tpu.memory_space<vmem>> -> memref<64xf32, #tpu.memory_space<vmem>>
        %dma_start3A_427 = arith.constant 0 : i32
        %dma_start3A_428 = tpu.memref_slice %arg4[%squeeze3A_415, %dma_start3A_427] : memref<1000000x64xf32, #tpu.memory_space<hbm>> -> memref<1x64xf32, #tpu.memory_space<hbm>>
        %dma_start3A_429 = tpu.memref_squeeze %dma_start3A_428 : memref<1x64xf32, #tpu.memory_space<hbm>> -> memref<64xf32, #tpu.memory_space<hbm>>
        tpu.enqueue_dma source(%dma_start3A_429 : memref<64xf32, #tpu.memory_space<hbm>>) target(%dma_start3A_426 : memref<64xf32, #tpu.memory_space<vmem>>) target_semaphore(%arg15 : memref<!tpu.dma_semaphore, #tpu.memory_space<semaphore_mem>>)
        %slice3A_430 = vector.extract_strided_slice %get3A_51 {offsets = [14], sizes = [1], strides = [1]} : vector<16xi32> to vector<1xi32>
        %squeeze3A_431 = vector.extract %slice3A_430[0] : i32 from vector<1xi32>
        %add3A_432 = arith.constant 14 : i32
        %add3A_433 = arith.addi %mul3A_40, %add3A_432 : i32
        %dma_start3A_434 = arith.constant 0 : i32
        %dma_start3A_435 = tpu.memref_slice %arg12[%arg1, %add3A_433, %dma_start3A_434] : memref<16x128x64xf32, #tpu.memory_space<vmem_shared>> -> memref<1x1x64xf32, #tpu.memory_space<vmem_shared>>
        %dma_start3A_436 = tpu.memref_squeeze %dma_start3A_435 : memref<1x1x64xf32, #tpu.memory_space<vmem_shared>> -> memref<64xf32, #tpu.memory_space<vmem_shared>>
        %dma_start3A_437 = arith.constant 0 : i32
        %dma_start3A_438 = tpu.memref_slice %arg5[%squeeze3A_431, %dma_start3A_437] : memref<1000000x64xf32, #tpu.memory_space<hbm>> -> memref<1x64xf32, #tpu.memory_space<hbm>>
        %dma_start3A_439 = tpu.memref_squeeze %dma_start3A_438 : memref<1x64xf32, #tpu.memory_space<hbm>> -> memref<64xf32, #tpu.memory_space<hbm>>
        tpu.enqueue_dma source(%dma_start3A_439 : memref<64xf32, #tpu.memory_space<hbm>>) target(%dma_start3A_436 : memref<64xf32, #tpu.memory_space<vmem_shared>>) target_semaphore(%arg19 : memref<!tpu.dma_semaphore, #tpu.memory_space<semaphore_mem>>)
        %slice3A_440 = vector.extract_strided_slice %get3A_45 {offsets = [15], sizes = [1], strides = [1]} : vector<16xi32> to vector<1xi32>
        %squeeze3A_441 = vector.extract %slice3A_440[0] : i32 from vector<1xi32>
        %add3A_442 = arith.constant 15 : i32
        %add3A_443 = arith.addi %mul3A_40, %add3A_442 : i32
        %dma_start3A_444 = arith.constant 0 : i32
        %dma_start3A_445 = tpu.memref_slice %arg10[%add3A_443, %dma_start3A_444] : memref<128x64xf32, #tpu.memory_space<vmem>> -> memref<1x64xf32, #tpu.memory_space<vmem>>
        %dma_start3A_446 = tpu.memref_squeeze %dma_start3A_445 : memref<1x64xf32, #tpu.memory_space<vmem>> -> memref<64xf32, #tpu.memory_space<vmem>>
        %dma_start3A_447 = arith.constant 0 : i32
        %dma_start3A_448 = tpu.memref_slice %arg4[%squeeze3A_441, %dma_start3A_447] : memref<1000000x64xf32, #tpu.memory_space<hbm>> -> memref<1x64xf32, #tpu.memory_space<hbm>>
        %dma_start3A_449 = tpu.memref_squeeze %dma_start3A_448 : memref<1x64xf32, #tpu.memory_space<hbm>> -> memref<64xf32, #tpu.memory_space<hbm>>
        %dma_start3A_450 = arith.constant 0 : i32
        %dma_start3A_451 = tpu.memref_slice %arg10[%add3A_443, %dma_start3A_450] : memref<128x64xf32, #tpu.memory_space<vmem>> -> memref<1x64xf32, #tpu.memory_space<vmem>>
        %dma_start3A_452 = tpu.memref_squeeze %dma_start3A_451 : memref<1x64xf32, #tpu.memory_space<vmem>> -> memref<64xf32, #tpu.memory_space<vmem>>
        %dma_start3A_453 = arith.constant 0 : i32
        %dma_start3A_454 = tpu.memref_slice %arg4[%squeeze3A_441, %dma_start3A_453] : memref<1000000x64xf32, #tpu.memory_space<hbm>> -> memref<1x64xf32, #tpu.memory_space<hbm>>
        %dma_start3A_455 = tpu.memref_squeeze %dma_start3A_454 : memref<1x64xf32, #tpu.memory_space<hbm>> -> memref<64xf32, #tpu.memory_space<hbm>>
        tpu.enqueue_dma source(%dma_start3A_455 : memref<64xf32, #tpu.memory_space<hbm>>) target(%dma_start3A_452 : memref<64xf32, #tpu.memory_space<vmem>>) target_semaphore(%arg16 : memref<!tpu.dma_semaphore, #tpu.memory_space<semaphore_mem>>)
        %slice3A_456 = vector.extract_strided_slice %get3A_51 {offsets = [15], sizes = [1], strides = [1]} : vector<16xi32> to vector<1xi32>
        %squeeze3A_457 = vector.extract %slice3A_456[0] : i32 from vector<1xi32>
        %add3A_458 = arith.constant 15 : i32
        %add3A_459 = arith.addi %mul3A_40, %add3A_458 : i32
        %dma_start3A_460 = arith.constant 0 : i32
        %dma_start3A_461 = tpu.memref_slice %arg12[%arg1, %add3A_459, %dma_start3A_460] : memref<16x128x64xf32, #tpu.memory_space<vmem_shared>> -> memref<1x1x64xf32, #tpu.memory_space<vmem_shared>>
        %dma_start3A_462 = tpu.memref_squeeze %dma_start3A_461 : memref<1x1x64xf32, #tpu.memory_space<vmem_shared>> -> memref<64xf32, #tpu.memory_space<vmem_shared>>
        %dma_start3A_463 = arith.constant 0 : i32
        %dma_start3A_464 = tpu.memref_slice %arg5[%squeeze3A_457, %dma_start3A_463] : memref<1000000x64xf32, #tpu.memory_space<hbm>> -> memref<1x64xf32, #tpu.memory_space<hbm>>
        %dma_start3A_465 = tpu.memref_squeeze %dma_start3A_464 : memref<1x64xf32, #tpu.memory_space<hbm>> -> memref<64xf32, #tpu.memory_space<hbm>>
        tpu.enqueue_dma source(%dma_start3A_465 : memref<64xf32, #tpu.memory_space<hbm>>) target(%dma_start3A_462 : memref<64xf32, #tpu.memory_space<vmem_shared>>) target_semaphore(%arg20 : memref<!tpu.dma_semaphore, #tpu.memory_space<semaphore_mem>>)
      }
      %scan3A_14 = arith.constant 8 : i32
      %scan3A_15 = arith.constant 0 : i32
      %scan3A_16 = arith.constant 0 : i32
      %scan3A_17 = arith.constant 32 : i32
      %scan3A_18 = arith.addi %scan3A_16, %scan3A_17 : i32
      %scan3A_19 = arith.constant 1 : i32
      scf.for %scan3A_38 = %scan3A_16 to %scan3A_18 step %scan3A_19  : i32 {
        %dma_wait3A_39 = arith.constant 0 : i32
        %dma_wait3A_40 = arith.constant 0 : i32
        %dma_wait3A_41 = arith.constant 0 : i32
        %dma_wait3A_42 = tpu.memref_slice %arg10[%dma_wait3A_40, %dma_wait3A_41] : memref<128x64xf32, #tpu.memory_space<vmem>> -> memref<1x64xf32, #tpu.memory_space<vmem>>
        %dma_wait3A_43 = tpu.memref_squeeze %dma_wait3A_42 : memref<1x64xf32, #tpu.memory_space<vmem>> -> memref<64xf32, #tpu.memory_space<vmem>>
        %dma_wait3A_44 = arith.constant 0 : i32
        %dma_wait3A_45 = tpu.memref_slice %arg4[%dma_wait3A_39, %dma_wait3A_44] : memref<1000000x64xf32, #tpu.memory_space<hbm>> -> memref<1x64xf32, #tpu.memory_space<hbm>>
        %dma_wait3A_46 = tpu.memref_squeeze %dma_wait3A_45 : memref<1x64xf32, #tpu.memory_space<hbm>> -> memref<64xf32, #tpu.memory_space<hbm>>
        %dma_wait3A_47 = arith.constant 0 : i32
        %dma_wait3A_48 = tpu.memref_slice %arg10[%dma_wait3A_40, %dma_wait3A_47] : memref<128x64xf32, #tpu.memory_space<vmem>> -> memref<1x64xf32, #tpu.memory_space<vmem>>
        %dma_wait3A_49 = tpu.memref_squeeze %dma_wait3A_48 : memref<1x64xf32, #tpu.memory_space<vmem>> -> memref<64xf32, #tpu.memory_space<vmem>>
        %dma_wait3A_50 = arith.constant 0 : i32
        %dma_wait3A_51 = tpu.memref_slice %arg4[%dma_wait3A_39, %dma_wait3A_50] : memref<1000000x64xf32, #tpu.memory_space<hbm>> -> memref<1x64xf32, #tpu.memory_space<hbm>>
        %dma_wait3A_52 = tpu.memref_squeeze %dma_wait3A_51 : memref<1x64xf32, #tpu.memory_space<hbm>> -> memref<64xf32, #tpu.memory_space<hbm>>
        tpu.wait_dma2 semaphore(%arg13 : memref<!tpu.dma_semaphore, #tpu.memory_space<semaphore_mem>>) src(%dma_wait3A_52 : memref<64xf32, #tpu.memory_space<hbm>>) dst(%dma_wait3A_49 : memref<64xf32, #tpu.memory_space<vmem>>)
        %dma_wait3A_53 = arith.constant 0 : i32
        %dma_wait3A_54 = arith.constant 0 : i32
        %dma_wait3A_55 = arith.constant 0 : i32
        %dma_wait3A_56 = arith.constant 0 : i32
        %dma_wait3A_57 = tpu.memref_slice %arg12[%dma_wait3A_54, %dma_wait3A_55, %dma_wait3A_56] : memref<16x128x64xf32, #tpu.memory_space<vmem_shared>> -> memref<1x1x64xf32, #tpu.memory_space<vmem_shared>>
        %dma_wait3A_58 = tpu.memref_squeeze %dma_wait3A_57 : memref<1x1x64xf32, #tpu.memory_space<vmem_shared>> -> memref<64xf32, #tpu.memory_space<vmem_shared>>
        %dma_wait3A_59 = arith.constant 0 : i32
        %dma_wait3A_60 = tpu.memref_slice %arg5[%dma_wait3A_53, %dma_wait3A_59] : memref<1000000x64xf32, #tpu.memory_space<hbm>> -> memref<1x64xf32, #tpu.memory_space<hbm>>
        %dma_wait3A_61 = tpu.memref_squeeze %dma_wait3A_60 : memref<1x64xf32, #tpu.memory_space<hbm>> -> memref<64xf32, #tpu.memory_space<hbm>>
        tpu.wait_dma2 semaphore(%arg17 : memref<!tpu.dma_semaphore, #tpu.memory_space<semaphore_mem>>) src(%dma_wait3A_61 : memref<64xf32, #tpu.memory_space<hbm>>) dst(%dma_wait3A_58 : memref<64xf32, #tpu.memory_space<vmem_shared>>)
        %dma_wait3A_62 = arith.constant 0 : i32
        %dma_wait3A_63 = arith.constant 0 : i32
        %dma_wait3A_64 = arith.constant 0 : i32
        %dma_wait3A_65 = tpu.memref_slice %arg10[%dma_wait3A_63, %dma_wait3A_64] : memref<128x64xf32, #tpu.memory_space<vmem>> -> memref<1x64xf32, #tpu.memory_space<vmem>>
        %dma_wait3A_66 = tpu.memref_squeeze %dma_wait3A_65 : memref<1x64xf32, #tpu.memory_space<vmem>> -> memref<64xf32, #tpu.memory_space<vmem>>
        %dma_wait3A_67 = arith.constant 0 : i32
        %dma_wait3A_68 = tpu.memref_slice %arg4[%dma_wait3A_62, %dma_wait3A_67] : memref<1000000x64xf32, #tpu.memory_space<hbm>> -> memref<1x64xf32, #tpu.memory_space<hbm>>
        %dma_wait3A_69 = tpu.memref_squeeze %dma_wait3A_68 : memref<1x64xf32, #tpu.memory_space<hbm>> -> memref<64xf32, #tpu.memory_space<hbm>>
        %dma_wait3A_70 = arith.constant 0 : i32
        %dma_wait3A_71 = tpu.memref_slice %arg10[%dma_wait3A_63, %dma_wait3A_70] : memref<128x64xf32, #tpu.memory_space<vmem>> -> memref<1x64xf32, #tpu.memory_space<vmem>>
        %dma_wait3A_72 = tpu.memref_squeeze %dma_wait3A_71 : memref<1x64xf32, #tpu.memory_space<vmem>> -> memref<64xf32, #tpu.memory_space<vmem>>
        %dma_wait3A_73 = arith.constant 0 : i32
        %dma_wait3A_74 = tpu.memref_slice %arg4[%dma_wait3A_62, %dma_wait3A_73] : memref<1000000x64xf32, #tpu.memory_space<hbm>> -> memref<1x64xf32, #tpu.memory_space<hbm>>
        %dma_wait3A_75 = tpu.memref_squeeze %dma_wait3A_74 : memref<1x64xf32, #tpu.memory_space<hbm>> -> memref<64xf32, #tpu.memory_space<hbm>>
        tpu.wait_dma2 semaphore(%arg14 : memref<!tpu.dma_semaphore, #tpu.memory_space<semaphore_mem>>) src(%dma_wait3A_75 : memref<64xf32, #tpu.memory_space<hbm>>) dst(%dma_wait3A_72 : memref<64xf32, #tpu.memory_space<vmem>>)
        %dma_wait3A_76 = arith.constant 0 : i32
        %dma_wait3A_77 = arith.constant 0 : i32
        %dma_wait3A_78 = arith.constant 0 : i32
        %dma_wait3A_79 = arith.constant 0 : i32
        %dma_wait3A_80 = tpu.memref_slice %arg12[%dma_wait3A_77, %dma_wait3A_78, %dma_wait3A_79] : memref<16x128x64xf32, #tpu.memory_space<vmem_shared>> -> memref<1x1x64xf32, #tpu.memory_space<vmem_shared>>
        %dma_wait3A_81 = tpu.memref_squeeze %dma_wait3A_80 : memref<1x1x64xf32, #tpu.memory_space<vmem_shared>> -> memref<64xf32, #tpu.memory_space<vmem_shared>>
        %dma_wait3A_82 = arith.constant 0 : i32
        %dma_wait3A_83 = tpu.memref_slice %arg5[%dma_wait3A_76, %dma_wait3A_82] : memref<1000000x64xf32, #tpu.memory_space<hbm>> -> memref<1x64xf32, #tpu.memory_space<hbm>>
        %dma_wait3A_84 = tpu.memref_squeeze %dma_wait3A_83 : memref<1x64xf32, #tpu.memory_space<hbm>> -> memref<64xf32, #tpu.memory_space<hbm>>
        tpu.wait_dma2 semaphore(%arg18 : memref<!tpu.dma_semaphore, #tpu.memory_space<semaphore_mem>>) src(%dma_wait3A_84 : memref<64xf32, #tpu.memory_space<hbm>>) dst(%dma_wait3A_81 : memref<64xf32, #tpu.memory_space<vmem_shared>>)
        %dma_wait3A_85 = arith.constant 0 : i32
        %dma_wait3A_86 = arith.constant 0 : i32
        %dma_wait3A_87 = arith.constant 0 : i32
        %dma_wait3A_88 = tpu.memref_slice %arg10[%dma_wait3A_86, %dma_wait3A_87] : memref<128x64xf32, #tpu.memory_space<vmem>> -> memref<1x64xf32, #tpu.memory_space<vmem>>
        %dma_wait3A_89 = tpu.memref_squeeze %dma_wait3A_88 : memref<1x64xf32, #tpu.memory_space<vmem>> -> memref<64xf32, #tpu.memory_space<vmem>>
        %dma_wait3A_90 = arith.constant 0 : i32
        %dma_wait3A_91 = tpu.memref_slice %arg4[%dma_wait3A_85, %dma_wait3A_90] : memref<1000000x64xf32, #tpu.memory_space<hbm>> -> memref<1x64xf32, #tpu.memory_space<hbm>>
        %dma_wait3A_92 = tpu.memref_squeeze %dma_wait3A_91 : memref<1x64xf32, #tpu.memory_space<hbm>> -> memref<64xf32, #tpu.memory_space<hbm>>
        %dma_wait3A_93 = arith.constant 0 : i32
        %dma_wait3A_94 = tpu.memref_slice %arg10[%dma_wait3A_86, %dma_wait3A_93] : memref<128x64xf32, #tpu.memory_space<vmem>> -> memref<1x64xf32, #tpu.memory_space<vmem>>
        %dma_wait3A_95 = tpu.memref_squeeze %dma_wait3A_94 : memref<1x64xf32, #tpu.memory_space<vmem>> -> memref<64xf32, #tpu.memory_space<vmem>>
        %dma_wait3A_96 = arith.constant 0 : i32
        %dma_wait3A_97 = tpu.memref_slice %arg4[%dma_wait3A_85, %dma_wait3A_96] : memref<1000000x64xf32, #tpu.memory_space<hbm>> -> memref<1x64xf32, #tpu.memory_space<hbm>>
        %dma_wait3A_98 = tpu.memref_squeeze %dma_wait3A_97 : memref<1x64xf32, #tpu.memory_space<hbm>> -> memref<64xf32, #tpu.memory_space<hbm>>
        tpu.wait_dma2 semaphore(%arg15 : memref<!tpu.dma_semaphore, #tpu.memory_space<semaphore_mem>>) src(%dma_wait3A_98 : memref<64xf32, #tpu.memory_space<hbm>>) dst(%dma_wait3A_95 : memref<64xf32, #tpu.memory_space<vmem>>)
        %dma_wait3A_99 = arith.constant 0 : i32
        %dma_wait3A_100 = arith.constant 0 : i32
        %dma_wait3A_101 = arith.constant 0 : i32
        %dma_wait3A_102 = arith.constant 0 : i32
        %dma_wait3A_103 = tpu.memref_slice %arg12[%dma_wait3A_100, %dma_wait3A_101, %dma_wait3A_102] : memref<16x128x64xf32, #tpu.memory_space<vmem_shared>> -> memref<1x1x64xf32, #tpu.memory_space<vmem_shared>>
        %dma_wait3A_104 = tpu.memref_squeeze %dma_wait3A_103 : memref<1x1x64xf32, #tpu.memory_space<vmem_shared>> -> memref<64xf32, #tpu.memory_space<vmem_shared>>
        %dma_wait3A_105 = arith.constant 0 : i32
        %dma_wait3A_106 = tpu.memref_slice %arg5[%dma_wait3A_99, %dma_wait3A_105] : memref<1000000x64xf32, #tpu.memory_space<hbm>> -> memref<1x64xf32, #tpu.memory_space<hbm>>
        %dma_wait3A_107 = tpu.memref_squeeze %dma_wait3A_106 : memref<1x64xf32, #tpu.memory_space<hbm>> -> memref<64xf32, #tpu.memory_space<hbm>>
        tpu.wait_dma2 semaphore(%arg19 : memref<!tpu.dma_semaphore, #tpu.memory_space<semaphore_mem>>) src(%dma_wait3A_107 : memref<64xf32, #tpu.memory_space<hbm>>) dst(%dma_wait3A_104 : memref<64xf32, #tpu.memory_space<vmem_shared>>)
        %dma_wait3A_108 = arith.constant 0 : i32
        %dma_wait3A_109 = arith.constant 0 : i32
        %dma_wait3A_110 = arith.constant 0 : i32
        %dma_wait3A_111 = tpu.memref_slice %arg10[%dma_wait3A_109, %dma_wait3A_110] : memref<128x64xf32, #tpu.memory_space<vmem>> -> memref<1x64xf32, #tpu.memory_space<vmem>>
        %dma_wait3A_112 = tpu.memref_squeeze %dma_wait3A_111 : memref<1x64xf32, #tpu.memory_space<vmem>> -> memref<64xf32, #tpu.memory_space<vmem>>
        %dma_wait3A_113 = arith.constant 0 : i32
        %dma_wait3A_114 = tpu.memref_slice %arg4[%dma_wait3A_108, %dma_wait3A_113] : memref<1000000x64xf32, #tpu.memory_space<hbm>> -> memref<1x64xf32, #tpu.memory_space<hbm>>
        %dma_wait3A_115 = tpu.memref_squeeze %dma_wait3A_114 : memref<1x64xf32, #tpu.memory_space<hbm>> -> memref<64xf32, #tpu.memory_space<hbm>>
        %dma_wait3A_116 = arith.constant 0 : i32
        %dma_wait3A_117 = tpu.memref_slice %arg10[%dma_wait3A_109, %dma_wait3A_116] : memref<128x64xf32, #tpu.memory_space<vmem>> -> memref<1x64xf32, #tpu.memory_space<vmem>>
        %dma_wait3A_118 = tpu.memref_squeeze %dma_wait3A_117 : memref<1x64xf32, #tpu.memory_space<vmem>> -> memref<64xf32, #tpu.memory_space<vmem>>
        %dma_wait3A_119 = arith.constant 0 : i32
        %dma_wait3A_120 = tpu.memref_slice %arg4[%dma_wait3A_108, %dma_wait3A_119] : memref<1000000x64xf32, #tpu.memory_space<hbm>> -> memref<1x64xf32, #tpu.memory_space<hbm>>
        %dma_wait3A_121 = tpu.memref_squeeze %dma_wait3A_120 : memref<1x64xf32, #tpu.memory_space<hbm>> -> memref<64xf32, #tpu.memory_space<hbm>>
        tpu.wait_dma2 semaphore(%arg16 : memref<!tpu.dma_semaphore, #tpu.memory_space<semaphore_mem>>) src(%dma_wait3A_121 : memref<64xf32, #tpu.memory_space<hbm>>) dst(%dma_wait3A_118 : memref<64xf32, #tpu.memory_space<vmem>>)
        %dma_wait3A_122 = arith.constant 0 : i32
        %dma_wait3A_123 = arith.constant 0 : i32
        %dma_wait3A_124 = arith.constant 0 : i32
        %dma_wait3A_125 = arith.constant 0 : i32
        %dma_wait3A_126 = tpu.memref_slice %arg12[%dma_wait3A_123, %dma_wait3A_124, %dma_wait3A_125] : memref<16x128x64xf32, #tpu.memory_space<vmem_shared>> -> memref<1x1x64xf32, #tpu.memory_space<vmem_shared>>
        %dma_wait3A_127 = tpu.memref_squeeze %dma_wait3A_126 : memref<1x1x64xf32, #tpu.memory_space<vmem_shared>> -> memref<64xf32, #tpu.memory_space<vmem_shared>>
        %dma_wait3A_128 = arith.constant 0 : i32
        %dma_wait3A_129 = tpu.memref_slice %arg5[%dma_wait3A_122, %dma_wait3A_128] : memref<1000000x64xf32, #tpu.memory_space<hbm>> -> memref<1x64xf32, #tpu.memory_space<hbm>>
        %dma_wait3A_130 = tpu.memref_squeeze %dma_wait3A_129 : memref<1x64xf32, #tpu.memory_space<hbm>> -> memref<64xf32, #tpu.memory_space<hbm>>
        tpu.wait_dma2 semaphore(%arg20 : memref<!tpu.dma_semaphore, #tpu.memory_space<semaphore_mem>>) src(%dma_wait3A_130 : memref<64xf32, #tpu.memory_space<hbm>>) dst(%dma_wait3A_127 : memref<64xf32, #tpu.memory_space<vmem_shared>>)
      }
      %scan3A_20 = arith.constant 32 : i32
      "tpu.region"() ({
        %run_scoped3A = tpu.sem_alloc : memref<!tpu.dma_semaphore, #tpu.memory_space<semaphore_mem>>
        %dma_start3A_38 = arith.constant 0 : i32
        %dma_start3A_39 = arith.constant 0 : i32
        %dma_start3A_40 = tpu.memref_slice %arg12[%arg1, %dma_start3A_38, %dma_start3A_39] : memref<16x128x64xf32, #tpu.memory_space<vmem_shared>> -> memref<1x128x64xf32, #tpu.memory_space<vmem_shared>>
        %dma_start3A_41 = tpu.memref_squeeze %dma_start3A_40 : memref<1x128x64xf32, #tpu.memory_space<vmem_shared>> -> memref<128x64xf32, #tpu.memory_space<vmem_shared>>
        %dma_start3A_42 = arith.constant 0 : i32
        %dma_start3A_43 = arith.constant 0 : i32
        %dma_start3A_44 = tpu.memref_slice %arg12[%arg1, %dma_start3A_42, %dma_start3A_43] : memref<16x128x64xf32, #tpu.memory_space<vmem_shared>> -> memref<1x128x64xf32, #tpu.memory_space<vmem_shared>>
        %dma_start3A_45 = tpu.memref_squeeze %dma_start3A_44 : memref<1x128x64xf32, #tpu.memory_space<vmem_shared>> -> memref<128x64xf32, #tpu.memory_space<vmem_shared>>
        tpu.enqueue_dma source(%dma_start3A_45 : memref<128x64xf32, #tpu.memory_space<vmem_shared>>) target(%arg11 : memref<128x64xf32, #tpu.memory_space<vmem>>) target_semaphore(%run_scoped3A : memref<!tpu.dma_semaphore, #tpu.memory_space<semaphore_mem>>)
        %dma_wait3A_46 = arith.constant 0 : i32
        %dma_wait3A_47 = arith.constant 0 : i32
        %dma_wait3A_48 = tpu.memref_slice %arg12[%arg1, %dma_wait3A_46, %dma_wait3A_47] : memref<16x128x64xf32, #tpu.memory_space<vmem_shared>> -> memref<1x128x64xf32, #tpu.memory_space<vmem_shared>>
        %dma_wait3A_49 = tpu.memref_squeeze %dma_wait3A_48 : memref<1x128x64xf32, #tpu.memory_space<vmem_shared>> -> memref<128x64xf32, #tpu.memory_space<vmem_shared>>
        %dma_wait3A_50 = arith.constant 0 : i32
        %dma_wait3A_51 = arith.constant 0 : i32
        %dma_wait3A_52 = tpu.memref_slice %arg12[%arg1, %dma_wait3A_50, %dma_wait3A_51] : memref<16x128x64xf32, #tpu.memory_space<vmem_shared>> -> memref<1x128x64xf32, #tpu.memory_space<vmem_shared>>
        %dma_wait3A_53 = tpu.memref_squeeze %dma_wait3A_52 : memref<1x128x64xf32, #tpu.memory_space<vmem_shared>> -> memref<128x64xf32, #tpu.memory_space<vmem_shared>>
        tpu.wait_dma2 semaphore(%run_scoped3A : memref<!tpu.dma_semaphore, #tpu.memory_space<semaphore_mem>>) src(%dma_wait3A_53 : memref<128x64xf32, #tpu.memory_space<vmem_shared>>) dst(%arg11 : memref<128x64xf32, #tpu.memory_space<vmem>>)
        tpu.yield
      }) : () -> ()
      %mul3A_21 = arith.constant 128 : i32
      %mul3A_22 = arith.muli %scan3A_8, %mul3A_21 : i32
      %add3A_23 = arith.addi %mul3A_2, %mul3A_22 : i32
      %dma_start3A = arith.constant 0 : i32
      %dma_start3A_24 = tpu.memref_slice %arg6[%add3A_23, %dma_start3A] : memref<16384x64xf32, #tpu.memory_space<hbm>> -> memref<128x64xf32, #tpu.memory_space<hbm>>
      %dma_start3A_25 = arith.constant 0 : i32
      %dma_start3A_26 = tpu.memref_slice %arg6[%add3A_23, %dma_start3A_25] : memref<16384x64xf32, #tpu.memory_space<hbm>> -> memref<128x64xf32, #tpu.memory_space<hbm>>
      tpu.enqueue_dma source(%arg10 : memref<128x64xf32, #tpu.memory_space<vmem>>) target(%dma_start3A_26 : memref<128x64xf32, #tpu.memory_space<hbm>>) target_semaphore(%arg21 : memref<!tpu.dma_semaphore, #tpu.memory_space<semaphore_mem>>)
      %dma_start3A_27 = arith.constant 0 : i32
      %dma_start3A_28 = tpu.memref_slice %arg7[%add3A_23, %dma_start3A_27] : memref<16384x64xf32, #tpu.memory_space<hbm>> -> memref<128x64xf32, #tpu.memory_space<hbm>>
      %dma_start3A_29 = arith.constant 0 : i32
      %dma_start3A_30 = tpu.memref_slice %arg7[%add3A_23, %dma_start3A_29] : memref<16384x64xf32, #tpu.memory_space<hbm>> -> memref<128x64xf32, #tpu.memory_space<hbm>>
      tpu.enqueue_dma source(%arg11 : memref<128x64xf32, #tpu.memory_space<vmem>>) target(%dma_start3A_30 : memref<128x64xf32, #tpu.memory_space<hbm>>) target_semaphore(%arg21 : memref<!tpu.dma_semaphore, #tpu.memory_space<semaphore_mem>>)
      %dma_wait3A = arith.constant 0 : i32
      %dma_wait3A_31 = tpu.memref_slice %arg6[%add3A_23, %dma_wait3A] : memref<16384x64xf32, #tpu.memory_space<hbm>> -> memref<128x64xf32, #tpu.memory_space<hbm>>
      %dma_wait3A_32 = arith.constant 0 : i32
      %dma_wait3A_33 = tpu.memref_slice %arg6[%add3A_23, %dma_wait3A_32] : memref<16384x64xf32, #tpu.memory_space<hbm>> -> memref<128x64xf32, #tpu.memory_space<hbm>>
      tpu.wait_dma2 semaphore(%arg21 : memref<!tpu.dma_semaphore, #tpu.memory_space<semaphore_mem>>) src(%arg10 : memref<128x64xf32, #tpu.memory_space<vmem>>) dst(%dma_wait3A_33 : memref<128x64xf32, #tpu.memory_space<hbm>>)
      %dma_wait3A_34 = arith.constant 0 : i32
      %dma_wait3A_35 = tpu.memref_slice %arg7[%add3A_23, %dma_wait3A_34] : memref<16384x64xf32, #tpu.memory_space<hbm>> -> memref<128x64xf32, #tpu.memory_space<hbm>>
      %dma_wait3A_36 = arith.constant 0 : i32
      %dma_wait3A_37 = tpu.memref_slice %arg7[%add3A_23, %dma_wait3A_36] : memref<16384x64xf32, #tpu.memory_space<hbm>> -> memref<128x64xf32, #tpu.memory_space<hbm>>
      tpu.wait_dma2 semaphore(%arg21 : memref<!tpu.dma_semaphore, #tpu.memory_space<semaphore_mem>>) src(%arg11 : memref<128x64xf32, #tpu.memory_space<vmem>>) dst(%dma_wait3A_37 : memref<128x64xf32, #tpu.memory_space<hbm>>)
    }
    %scan3A_7 = arith.constant 4 : i32
    return
  }
}

</mosaic_0001>

<sc_bundles>
// kernel: kernel.3.cloned.1.call-start
scs
__scs_entry_jumppad:
0x0: {  	(pc) =	sbr.rel $0x88, $3  }
0x1: {  	(tag) =	ssettag $0x0;
	lr =	simm.s32 $0x1  }
0x2: {  	[smem:$0x3F9D] =	sst lr;
	_ =	strace $0xD0000000  }
0x3: {  	_ = 	snop  }
0x4: {  	_ = 	snop  }
0x5: {  	_ = 	snop  }
0x6: {  	_ = 	snop  }
0x7: {  	_ = 	snop  }
__scs_overlays_trampoline_lowered:
0x8: {  	[smem:$0x3FAC] =	sst s0  }
0x9: {  	[smem:$0x3FAD] =	sst s1  }
0xa: {  	[smem:$0x3FAE] =	sst s2  }
0xb: {  	[smem:$0x3FAF] =	sst s3  }
0xc: {  	[smem:$0x3FB0] =	sst s4  }
0xd: {  	[smem:$0x3FB1] =	sst s5  }
0xe: {  	[smem:$0x3FB2] =	sst s6  }
0xf: {  	[smem:$0x3FB3] =	sst s7  }
0x10: {  	[smem:$0x3FB4] =	sst s8  }
0x11: {  	[smem:$0x3FB5] =	sst s9;
	s0 =	simm.s32 @!p0 $0x0  }
0x12: {  	s1 =	sld [smem:$0x3F9B];
	s0 =	simm.s32 @p0 $0x1  }
0x13: {  	[smem:$0x3FB6] =	sst s0;
	s0 =	simm.s32 @!p1 $0x0  }
0x14: {  	s2 =	sld [smem:$0x3F9A];
	s0 =	simm.s32 @p1 $0x1  }
0x15: {  	[smem:$0x3FB7] =	sst s0;
	s0 =	simm.s32 @!p2 $0x0  }
0x16: {  	s3 =	sld [smem:$0x3FDB];
	s0 =	simm.s32 @p2 $0x1  }
0x17: {  	s4 =	simm.s32 $0x1BF5;
	[smem:$0x3FB9] =	sst s0  }
0x18: {  	s0 =	sld [smem:$0x3F9C];
	_ =	swait.ge [sflag:s4], $0x0  }
0x19: {  	s7 =	sld [smem:$0x3F9D]  }
0x1a: {  	s8 =	sadd.s32 $0xFFFFE003, lr  }
0x1b: {  	s9 =	sadd.s32 $0xFFFFFEF7, lr;
	s5 =	simm.s32 $0xFFFFFFFF;
	p2 =	slt.u32 s8, $0xFFFFF086  }
0x1c: {  	p1 =	slt.u32 s9, $0xF7A;
	s5 =	simm.s32 @!p2 $0x0  }
0x1d: {  	s5 =	simm.s32 @p1 $0x1;
	p0 =	seq.s32 s7, s2  }
0x1e: {  	s7 =	smul.u32 @!p0 $0xF7A, s2;
	p2 =	seq.s32 @!p0 s5, $0x0  }
0x1f: {  	s9 =	smul.u32 $0xF7A, s1;
	s8 =	simm.s32 @!p0 $0x1BF5;
	p2 =	por !p2, p0  }
0x20: {  	[sflag:s8] =	ssyncset.s32 @!p0 $0xFFFFF086;
	s6 =	sadd.s32 @!p0 s3, s7;
	s7 =	simm.s32 @!p0 $0x108  }
0x21: {  	s3 =	sadd.s32 s3, s9;
	s6 =	sadd.s32 @!p0 $0x88, s6;
	s7 =	simm.s32 @p2 $0x1082  }
0x22: {  	[simem:s7], [sflag:s8] =	dma.local @!p0 [hbm:s6], $0xF7A  }
0x23: {  	s9 =	sor.u32 $0xD0000000, s2;
	s6 =	simm.s32 $0x108;
	_ =	swait.ge @!p0 [sflag:s8], $0x0  }
0x24: {  	s3 =	sadd.s32 $0x88, s3;
	s6 =	simm.s32 @!p1 $0x1082;
	[sflag:s4] =	ssyncset.s32 $0xFFFFF086  }
0x25: {  	[simem:s6], [sflag:s4] =	dma.local [hbm:s3], $0xF7A  }
0x26: {  	[smem:$0x3F9D] =	sst s1;
	(tag) =	ssettag s2;
	_ =	strace s9  }
0x27: {  	s1 =	sld [smem:$0x3FAD]  }
0x28: {  	s2 =	sld [smem:$0x3FAE]  }
0x29: {  	s4 =	sld [smem:$0x3FB0]  }
0x2a: {  	p0 =	seq.s32 s5, $0x0;
	s5 =	sld [smem:$0x3FB1]  }
0x2b: {  	s6 =	sld [smem:$0x3FB2]  }
0x2c: {  	s7 =	sld [smem:$0x3FB3]  }
0x2d: {  	s3 =	simm.s32 $0x108;
	s8 =	sld [smem:$0x3FB4]  }
0x2e: {  	s3 =	simm.s32 @!p0 $0x1082;
	s9 =	sld [smem:$0x3FB5]  }
0x2f: {  	lr =	sadd.s32 s0, s3;
	s0 =	sld [smem:$0x3FAC]  }
0x30: {  	s3 =	sld [smem:$0x3FAF]  }
0x31: {  	[smem:$0x3FB8] =	sst s10  }
0x32: {  	s10 =	sld [smem:$0x3FB6];
	_ =	sdelay $0x3  }
0x33: {  	p0 =	seq.s32 s10, $0x1;
	s10 =	sld [smem:$0x3FB8];
	_ =	sdelay $0x3  }
0x34: {  	[smem:$0x3FB8] =	sst s10  }
0x35: {  	s10 =	sld [smem:$0x3FB7];
	_ =	sdelay $0x3  }
0x36: {  	p1 =	seq.s32 s10, $0x1;
	s10 =	sld [smem:$0x3FB8];
	_ =	sdelay $0x3  }
0x37: {  	[smem:$0x3FB8] =	sst s10  }
0x38: {  	s10 =	sld [smem:$0x3FB9]  }
0x39: {  	_ = 	snop;
	(pc) =	sbr.ind lr, $3  }
0x3a: {  	_ = 	snop  }
0x3b: {  	_ = 	snop  }
0x3c: {  	p2 =	seq.s32 s10, $0x1;
	s10 =	sld [smem:$0x3FB8]  }
0x3d: {  	_ =	shalt  }
0x3e: {  	_ =	shalt  }
0x3f: {  	_ =	shalt  }
0x40: {  	_ =	shalt  }
0x41: {  	_ =	shalt  }
0x42: {  	_ =	shalt  }
0x43: {  	_ =	shalt  }
0x44: {  	_ =	shalt  }
0x45: {  	_ =	shalt  }
0x46: {  	_ =	shalt  }
0x47: {  	_ =	shalt  }
0x48: {  	_ =	shalt  }
0x49: {  	_ =	shalt  }
0x4a: {  	_ =	shalt  }
0x4b: {  	_ =	shalt  }
0x4c: {  	_ =	shalt  }
0x4d: {  	_ =	shalt  }
0x4e: {  	_ =	shalt  }
0x4f: {  	_ =	shalt  }
0x50: {  	_ =	shalt  }
0x51: {  	_ =	shalt  }
0x52: {  	_ =	shalt  }
0x53: {  	_ =	shalt  }
0x54: {  	_ =	shalt  }
0x55: {  	_ =	shalt  }
0x56: {  	_ =	shalt  }
0x57: {  	_ =	shalt  }
0x58: {  	_ =	shalt  }
0x59: {  	_ =	shalt  }
0x5a: {  	_ =	shalt  }
0x5b: {  	_ =	shalt  }
0x5c: {  	_ =	shalt  }
0x5d: {  	_ =	shalt  }
0x5e: {  	_ =	shalt  }
0x5f: {  	_ =	shalt  }
0x60: {  	_ =	shalt  }
0x61: {  	_ =	shalt  }
0x62: {  	_ =	shalt  }
0x63: {  	_ =	shalt  }
0x64: {  	_ =	shalt  }
0x65: {  	_ =	shalt  }
0x66: {  	_ =	shalt  }
0x67: {  	_ =	shalt  }
0x68: {  	_ =	shalt  }
0x69: {  	_ =	shalt  }
0x6a: {  	_ =	shalt  }
0x6b: {  	_ =	shalt  }
0x6c: {  	_ =	shalt  }
0x6d: {  	_ =	shalt  }
0x6e: {  	_ =	shalt  }
0x6f: {  	_ =	shalt  }
0x70: {  	_ =	shalt  }
0x71: {  	_ =	shalt  }
0x72: {  	_ =	shalt  }
0x73: {  	_ =	shalt  }
0x74: {  	_ =	shalt  }
0x75: {  	_ =	shalt  }
0x76: {  	_ =	shalt  }
0x77: {  	_ =	shalt  }
0x78: {  	_ =	shalt  }
0x79: {  	_ =	shalt  }
0x7a: {  	_ =	shalt  }
0x7b: {  	_ =	shalt  }
0x7c: {  	_ =	shalt  }
0x7d: {  	_ =	shalt  }
0x7e: {  	_ =	shalt  }
0x7f: {  	_ =	shalt  }
0x80: {  	_ =	shalt  }
0x81: {  	_ =	shalt  }
0x82: {  	_ =	shalt  }
0x83: {  	_ =	shalt  }
0x84: {  	_ =	shalt  }
0x85: {  	_ =	shalt  }
0x86: {  	_ =	shalt  }
0x87: {  	_ =	shalt  }
.Lfunc_end0:
.L_simem_size_0:
called_computation_lowered:
.L_overlay_start_0:
0x88: {  	s2 =	sld [smem:$0x3FD9]  }
0x89: {  	s3 =	sld [smem:$0x3FFE];
	_ =	sdelay $0x1  }
0x8a: {  	s1 =	srdreg.scid  }
0x8b: {  	s0 =	sand.u32 $0x1, s1  }
0x8c: {  	s17 =	sshll.u32 s0, $0xA;
	s2 =	sadd.s32 s3, s2  }
0x8d: {  	s2 =	sadd.s32 s2, s17  }
0x8e: {  	[smem:$0x3FC4] =	sst s2  }
0x8f: {  	_ = 	snop  }
0x90: {  	s2 =	sld [smem:$0x3FC9]  }
0x91: {  	s18 =	sld [smem:$0x3FC8];
	(tm) =	ssettm $0x1  }
0x92: {  	s4 =	sld [smem:$0x3FFB];
	_ =	sdelay $0x3  }
0x93: {  	_ =	strace s4  }
0x94: {  	s4 =	sld [smem:$0x3FFC];
	_ =	sdelay $0x3  }
0x95: {  	_ =	strace s4  }
0x96: {  	s4 =	sld [smem:$0x3FFD];
	_ =	sdelay $0x3  }
0x97: {  	_ =	strace s4  }
0x98: {  	_ =	strace $0x8FFFFFFF  }
0x99: {  	s19 =	sld [smem:$0x3FDB];
	_ =	sdelay $0x1  }
0x9a: {  	s5 =	simm.s32 $_scs_section_size  }
0x9b: {  	s6 =	simm.s32 $_size__tile_overlayer_lowered;
	s7 =	simm.s32 $_tile_overlayer_lowered  }
0x9c: {  	s22 =	simm.s32 $0x1BFF;
	s21 =	sshll.u32 s7, $0x1;
	s4 =	sadd.s32 s5, s19  }
0x9d: {  	s8 =	simm.s32 $0x0;
	s20 =	sshll.u32 s6, $0x1;
	s6 =	sadd.s32 s21, s4  }
0x9e: {  	[timem:s8], [sflag:s22] =	dma.local [hbm:s6], s20  }
0x9f: {  	_ =	swait.ge [sflag:s22], s20  }
0xa0: {  	s5 =	ssub.s32 $0x0, s20;
	[sflag:s22] =	ssyncset.done $0x0  }
0xa1: {  	[sflag:s22] =	ssyncadd.s32 s5;
	_ =	sdelay $0x1  }
0xa2: {  	s23 =	simm.s32 $0x1B8B  }
0xa3: {  	_ =	swait.ge [sflag:s23], $0x1  }
0xa4: {  	[sflag:s23] =	ssyncset.done $0x0  }
0xa5: {  	s25 =	simm.s32 $0x1B8E;
	s24 =	sld [smem:$0x3FFE];
	[sflag:s23] =	ssyncadd.s32 $0xFFFFFFFF  }
0xa6: {  	s26 =	simm.s32 $execute0_lowered;
	[smem:$0x3FD2] =	sst s25  }
0xa7: {  	s6 =	sshll.u32 s26, $0x1;
	_ =	strace $0x80000046;
	[dreg:$0x1] =	wrdreg $0xFFFFFFFF  }
0xa8: {  	s28 =	simm.s32 $_size_execute0_lowered;
	s4 =	sadd.s32 s4, s6;
	[dreg:$0x0] =	wrdreg $0x0  }
0xa9: {  	s6 =	sshll.u32 s28, $0x1;
	[dreg:$0x2] =	wrdreg s4  }
0xaa: {  	[dreg:$0x3] =	wrdreg s6  }
0xab: {  	[dreg:$0x4] =	wrdreg $0xC0  }
0xac: {  	_ =	task [dreg:s8], $0x5FFFF  }
0xad: {  	[dreg:$0x1] =	wrdreg $0xFFFFFFFF  }
0xae: {  	[dreg:$0x0] =	wrdreg $0x60  }
0xaf: {  	[dreg:$0x2] =	wrdreg s2  }
0xb0: {  	[dreg:$0x3] =	wrdreg s18  }
0xb1: {  	[dreg:$0x4] =	wrdreg s24  }
0xb2: {  	[dreg:$0x5] =	wrdreg $0x84000  }
0xb3: {  	[dreg:$0x6] =	wrdreg $0x9  }
0xb4: {  	_ =	task.clear_ibuf [dreg:s8], $0x7FFFF;
	_ =	strace $0x90000046  }
0xb5: {  	s29 =	simm.s32 $0x9;
	_ =	strace $0x80000048  }
0xb6: {  	_ =	swait.ge [sflag:s29], $0x1  }
0xb7: {  	[sflag:s29] =	ssyncadd.s32 $0xFFFFFFFF  }
0xb8: {  	_ =	strace $0x90000048  }
0xb9: {  	_ =	sfence  }
0xba: {  	s30 =	sld [smem:$0x0];
	_ =	sdelay $0x2  }
0xbb: {  	s31 =	sshll.u32 s1, $0xD;
	s1 =	sshrl.u32 s1, $0x2  }
0xbc: {  	s3 =	sand.u32 $0x4000, s31;
	s1 =	sadd.s32 s1, s30  }
0xbd: {  	s0 =	sor.u32 s3, s0;
	s1 =	sshll.u32 s1, $0x11  }
0xbe: {  	s0 =	sor.u32 s1, s0  }
0xbf: {  	s0 =	sadd.s32 $0x8F2B, s0  }
0xc0: {  	[sflag:s0] =	ssyncadd.remote.s32 $0x1  }
0xc1: {  	_ =	sfence.sel $0xFFFF  }
0xc2: {  	[dreg:$0x0] =	wrdreg $0xFFFFFFFF;
	(pc) =	sbr.abs _section_cstart, $3  }
0xc3: {  	[dreg:$0x1] =	wrdreg $0xFFFFFFFF  }
0xc4: {  	_ =	task.clear_ibuf [dreg:s8], $0x2FFFF;
	_ =	strace $0x9FFFFFFF  }
0xc5: {  	(tm) =	ssettm $0x7FFFFFFF  }
tec
execute0_lowered:
.L_overlay_start_1:
0x0: {  	(tag) =	ssettag $0x1  }
0x1: {  	s0 =	rddreg [dreg:$0x0]  }
0x2: {  	s1 =	rddreg [dreg:$0x1]  }
0x3: {  	s2 =	rddreg [dreg:$0x2]  }
0x4: {  	s5 =	rddreg [dreg:$0x3]  }
0x5: {  	s4 =	simm.s32 $0x0;
	s6 =	srdreg.scid;
	s3 =	stileid.u32  }
0x6: {  	[smem:$0x7FF] =	sst s4;
	s26 =	sadd.s32 $0x800, s2;
	s14 =	sadd.s32 $0xF42C00, s2  }
0x7: {  	s6 =	sand.u32 $0x1, s6;
	s8 =	sshll.u32 s3, $0xA;
	s9 =	sadd.s32 $0x1E85000, s2  }
0x8: {  	s2 =	sadd.s32 $0x1EC5000, s2;
	s28 =	sshll.u32 s3, $0xE;
	s30 =	sshll.u32 s3, $0x6  }
0x9: {  	_ =	strace $0x80000047;
	s7 =	ssub.s32 $0x2, s6;
	[smem:$0x7F8] =	sst s9  }
0xa: {  	s6 =	sshll.u32 s6, $0x9;
	[smem:$0x7F9] =	sst s2;
	s11 =	sor.u32 $0x1C08, s30  }
0xb: {  	s12 =	sor.u32 $0x1C07, s30;
	s22 =	sshrl.u32 s7, $0x1;
	[dreg:$0x7] =	wrdreg s11  }
0xc: {  	s6 =	sor.u32 s6, s8;
	s8 =	sadd.s32 s28, s5;
	[dreg:$0x9] =	wrdreg s12  }
0xd: {  	s23 =	ssub.s32 s7, s22;
	s29 =	sshll.u32 s6, $0x4;
	[dreg:$0x5] =	wrdreg s8  }
0xe: {  	s24 =	sshrl.u32 s6, $0x3;
	s22 =	sor.u32 $0x1C05, s30;
	[smem:$0x7FC] =	sst s29  }
0xf: {  	s0 =	sadd.s32 s0, s24;
	[dreg:$0x6] =	wrdreg s22  }
0x10: {  	s25 =	sadd.s32 s1, s24;
	[smem:$0x7FA] =	sst s0  }
0x11: {  	s31 =	smax.u32 s23, $0x1;
	[smem:$0x7FB] =	sst s25  }
0x12: {  	s23 =	sor.u32 $0x1C06, s30;
	[smem:$0x7FD] =	sst s31  }
0x13: {  	s1 =	simm.s32 $0x0;
	[dreg:$0x8] =	wrdreg s23  }
.LBB2_1:
0x14: {  	s0 =	sld [smem:$0x7FA];
	_ =	sdelay $0x1  }
0x15: {  	[smem:$0x7F7] =	sst s1;
	s30 =	simm.s32 $0xA  }
0x16: {  	[tilespmem:s4], [sflag:$0xA] =	stream.linear.gather [hbm4b:s0+s4], $0x200, $0x38;
	[tilespmem:$0xA400] =	vst v63  }
0x17: {  	_ =	swait.ge [sflag:s30], $0x200  }
0x18: {  	s31 =	sld [smem:$0x7FB]  }
0x19: {  	[sflag:s30] =	ssyncset.done $0x0  }
0x1a: {  	s2 =	simm.s32 $0x200;
	[sflag:s30] =	ssyncadd.s32 $0xFFFFFE00  }
0x1b: {  	[tilespmem:s2], [sflag:$0xA] =	stream.linear.gather [hbm4b:s31+s4], $0x200, $0x38;
	[tilespmem:$0xA400] =	vst v63  }
0x1c: {  	_ =	swait.ge [sflag:s30], $0x200  }
0x1d: {  	[sflag:s30] =	ssyncset.done $0x0  }
0x1e: {  	s10 =	simm.s32 $0x0;
	s6 =	simm.s32 $0x0;
	[sflag:s30] =	ssyncadd.s32 $0xFFFFFE00  }
.LBB2_2:
0x1f: {  	v0 =	vld [tilespmem:s2+$0x0]  }
0x20: {  	v1 =	vld [tilespmem:s10+$0x0];
	_ =	sdelay $0x3  }
0x21: {  	v0 =	vshll.u32 v0, $0x4  }
0x22: {  	v1 =	vshll.u32 v1, $0x4;
	(v2sf) =	vpush v0, $0xE  }
0x23: {  	(v2sf) =	vpush v1, $0x7  }
0x24: {  	(v2sf) =	vpush v0, $0x4  }
0x25: {  	(v2sf) =	vpush v0, $0xD;
	_ =	sdelay $0x1  }
0x26: {  	(v2sf) =	vpush v1, $0xA  }
0x27: {  	(v2sf) =	vpush v1, $0xD  }
0x28: {  	(v2sf) =	vpush v0, $0x3;
	_ =	sdelay $0x2  }
0x29: {  	(v2sf) =	vpush v1, $0x3  }
0x2a: {  	[smem:$0x7F1] =	sst s6  }
0x2b: {  	s16 =	simm.s32 $0x2000;
	[smem:$0x7F2] =	sst s10  }
0x2c: {  	s20 =	sadd.s32 $0x10, s10;
	s11 =	simm.s32 $0x0;
	[smem:$0x7F3] =	sst s2;
	(v2sf) =	vpush v0, $0x2  }
0x2d: {  	s22 =	sadd.s32 $0x10, s2;
	s24 =	simm.s32 $0x600;
	[dreg:$0xa] =	wrdreg s16;
	(v2sf) =	vpush v1, $0x2  }
0x2e: {  	s28 =	simm.s32 $0x480;
	[dreg:$0xb] =	wrdreg s20;
	(v2sf) =	vpush v1, $0x1;
	s0 =	spop (v2sf)  }
0x2f: {  	s30 =	simm.s32 $0x500;
	[dreg:$0xc] =	wrdreg s22;
	(v2sf) =	vpush v1, $0x0;
	s5 =	spop (v2sf)  }
0x30: {  	[dreg:$0x11] =	wrdreg s24;
	(v2sf) =	vpush v0, $0x0;
	s0 =	sand.u32 $0x1FFFFFF0, s0;
	s15 =	spop (v2sf)  }
0x31: {  	(v2sf) =	vpush v0, $0x1;
	[dreg:$0xe] =	wrdreg s0;
	s1 =	spop (v2sf);
	s20 =	sand.u32 $0x1FFFFFF0, s15  }
0x32: {  	s5 =	sand.u32 $0x1FFFFFF0, s5;
	s17 =	sand.u32 $0x1FFFFFF0, s1;
	[dreg:$0x1a] =	wrdreg s20  }
0x33: {  	(v2sf) =	vpush v1, $0x4;
	s7 =	spop (v2sf);
	s20 =	simm.s32 $0x700;
	[dreg:$0xf] =	wrdreg s17  }
0x34: {  	s3 =	spop (v2sf);
	s19 =	sand.u32 $0x1FFFFFF0, s7;
	[smem:$0x7F5] =	sst s20  }
0x35: {  	s17 =	sadd.s32 $0x0, s8;
	[dreg:$0x17] =	wrdreg s3;
	s9 =	spop (v2sf)  }
0x36: {  	(v2sf) =	vpush v0, $0x5;
	[dreg:$0x10] =	wrdreg s19;
	s3 =	simm.s32 $0x880;
	s7 =	sadd.s32 $0x80, s17  }
0x37: {  	s15 =	sadd.s32 $0x200, s17;
	s24 =	sadd.s32 $0x500, s17;
	s10 =	sadd.s32 $0x600, s17  }
0x38: {  	s29 =	sadd.s32 $0x300, s17;
	s18 =	spop (v2sf);
	s23 =	sand.u32 $0x1FFFFFF0, s9  }
0x39: {  	[dreg:$0xd] =	wrdreg s3;
	s2 =	sshrl.u32 s7, $0x3;
	s3 =	sshrl.u32 s15, $0x3  }
0x3a: {  	s7 =	sadd.s32 $0x480, s17;
	[dreg:$0x14] =	wrdreg s10;
	s15 =	sadd.s32 $0x580, s17  }
0x3b: {  	(v2sf) =	vpush v0, $0x6;
	s10 =	sadd.s32 $0x400, s17;
	s21 =	spop (v2sf);
	[dreg:$0x13] =	wrdreg s23  }
0x3c: {  	(v2sf) =	vpush v1, $0x6;
	s0 =	sand.u32 $0x1FFFFFF0, s18;
	[dreg:$0x1f] =	wrdreg s3;
	s13 =	spop (v2sf)  }
0x3d: {  	s18 =	simm.s32 $0x400;
	[dreg:$0x19] =	wrdreg s15;
	s23 =	spop (v2sf)  }
0x3e: {  	s15 =	sadd.s32 $0x680, s17;
	[dreg:$0x1e] =	wrdreg s0;
	s25 =	spop (v2sf)  }
0x3f: {  	s16 =	sand.u32 $0x1FFFFFF0, s21;
	s8 =	spop (v2sf);
	s0 =	sand.u32 $0x1FFFFFF0, s25  }
0x40: {  	s12 =	spop (v2sf);
	s0 =	sadd.s32 s26, s0;
	s25 =	sand.u32 $0x1FFFFFF0, s8  }
0x41: {  	[tilespmem:s18], [sflag:$0x1] =	stream.linear.gather [hbm4b:s0+s4], $0x80, $0x38;
	[tilespmem:$0xA400] =	vst v63  }
0x42: {  	s8 =	sadd.s32 s26, s5;
	s19 =	spop (v2sf);
	s0 =	sshrl.u32 s24, $0x3  }
0x43: {  	[dreg:$0x1d] =	wrdreg s8;
	s18 =	sshrl.u32 s17, $0x3;
	s24 =	simm.s32 $0x580  }
0x44: {  	s9 =	sand.u32 $0x1FFFFFF0, s19;
	[dreg:$0x15] =	wrdreg s0;
	s0 =	sshrl.u32 s7, $0x3  }
0x45: {  	s21 =	spop (v2sf);
	s19 =	sadd.s32 $0x280, s17;
	[dreg:$0x18] =	wrdreg s0  }
0x46: {  	s22 =	sand.u32 $0x1FFFFFF0, s21;
	s21 =	sadd.s32 s14, s25;
	[dreg:$0x1c] =	wrdreg s19  }
0x47: {  	s6 =	sadd.s32 s26, s9;
	s0 =	sand.u32 $0x1FFFFFF0, s13;
	[dreg:$0x1b] =	wrdreg s22  }
0x48: {  	(v2sf) =	vpush v1, $0x9;
	s9 =	simm.s32 $0x800;
	s13 =	simm.s32 $0x780;
	[smem:$0x7F4] =	sst s6  }
0x49: {  	(v2sf) =	vpush v0, $0x7;
	s25 =	sadd.s32 $0x100, s17;
	s19 =	sadd.s32 $0x180, s17;
	[dreg:$0x12] =	wrdreg s9  }
0x4a: {  	[dreg:$0x16] =	wrdreg s13;
	(v2sf) =	vpush v1, $0x8;
	s22 =	simm.s32 $0x680;
	s31 =	spop (v2sf)  }
0x4b: {  	s9 =	sadd.s32 $0x380, s17;
	(v2sf) =	vpush v0, $0x8;
	[smem:$0x7F6] =	sst s22;
	s20 =	spop (v2sf)  }
.LBB2_3:
0x4c: {  	s1 =	rddreg [dreg:$0x6];
	s13 =	sshrl.u32 s19, $0x3  }
0x4d: {  	[spmem:s18], [sflag:s1] =	dma.local [hbm:s21], $0x10  }
0x4e: {  	s19 =	sshrl.u32 s10, $0x3;
	[smem:$0x7E1] =	sst s13  }
0x4f: {  	s7 =	sadd.s32 $0xB80, s11;
	[smem:$0x7E4] =	sst s19  }
0x50: {  	s8 =	sadd.s32 $0xA80, s11;
	[smem:$0x7EF] =	sst s7  }
0x51: {  	s18 =	sshrl.u32 s9, $0x3;
	[smem:$0x7E9] =	sst s8  }
0x52: {  	s16 =	sadd.s32 s14, s16;
	[smem:$0x7E3] =	sst s18  }
0x53: {  	s0 =	sadd.s32 s26, s0;
	s13 =	sadd.s32 $0xB00, s11;
	s3 =	rddreg [dreg:$0x17]  }
0x54: {  	s19 =	sadd.s32 $0x700, s17;
	s7 =	sshrl.u32 s15, $0x3;
	[smem:$0x7EC] =	sst s13  }
0x55: {  	(v2sf) =	vpush v1, $0xB;
	s18 =	sand.u32 $0x1FFFFFF0, s20;
	s20 =	sand.u32 $0x1FFFFFF0, s12;
	[smem:$0x7EB] =	sst s7  }
0x56: {  	s12 =	sadd.s32 $0x780, s17;
	s19 =	sshrl.u32 s19, $0x3;
	s7 =	rddreg [dreg:$0x8];
	(v2sf) =	vpush v0, $0x9  }
0x57: {  	s17 =	sshrl.u32 s12, $0x3;
	[smem:$0x7ED] =	sst s19;
	s21 =	spop (v2sf);
	(v2sf) =	vpush v0, $0xA  }
0x58: {  	[smem:$0x7F0] =	sst s17;
	s22 =	sand.u32 $0x1FFFFFF0, s21;
	s5 =	spop (v2sf);
	(v2sf) =	vpush v0, $0xF  }
0x59: {  	s21 =	sand.u32 $0x1FFFFFF0, s3;
	s3 =	sadd.s32 s26, s18;
	s6 =	sadd.s32 s26, s22;
	(v2sf) =	vpush v1, $0xE  }
0x5a: {  	s22 =	sand.u32 $0x1FFFFFF0, s23;
	s23 =	spop (v2sf);
	[smem:$0x7E2] =	sst s3;
	(v2sf) =	vpush v0, $0xB  }
0x5b: {  	s9 =	sand.u32 $0x1FFFFFF0, s5;
	s5 =	sadd.s32 $0xA00, s11;
	[smem:$0x7E5] =	sst s6;
	(v2sf) =	vpush v1, $0xF  }
0x5c: {  	[smem:$0x7E8] =	sst s5;
	s6 =	sadd.s32 $0x900, s11;
	s8 =	spop (v2sf);
	(v2sf) =	vpush v1, $0xC  }
0x5d: {  	s20 =	sadd.s32 s14, s20;
	s22 =	sadd.s32 s26, s22;
	[smem:$0x7E6] =	sst s6;
	(v2sf) =	vpush v1, $0x5  }
0x5e: {  	[tilespmem:s28], [sflag:$0x2] =	stream.linear.gather [hbm4b:s22+s4], $0x80, $0x38;
	(v2sf) =	vpush v0, $0xC;
	[tilespmem:$0xA400] =	vst v63  }
0x5f: {  	[spmem:s2], [sflag:s7] =	dma.local [hbm:s20], $0x10  }
0x60: {  	[tilespmem:s30], [sflag:$0x3] =	stream.linear.gather [hbm4b:s0+s4], $0x80, $0x38;
	[tilespmem:$0xA400] =	vst v63  }
0x61: {  	s25 =	sshrl.u32 s25, $0x3;
	s12 =	sadd.s32 s26, s21;
	s6 =	rddreg [dreg:$0x9]  }
0x62: {  	[spmem:s25], [sflag:s6] =	dma.local [hbm:s16], $0x10  }
0x63: {  	[smem:$0x7EA] =	sst s12  }
0x64: {  	s5 =	rddreg [dreg:$0xa]  }
0x65: {  	s16 =	rddreg [dreg:$0xe]  }
0x66: {  	s10 =	sand.u32 $0x1FFFFFF0, s31;
	s18 =	sand.u32 $0x1FFFFFF0, s23;
	s25 =	rddreg [dreg:$0x1e]  }
0x67: {  	s19 =	sand.u32 $0x1FFFFFF0, s8;
	s13 =	spop (v2sf);
	s31 =	sld [smem:$0x7E1]  }
0x68: {  	s15 =	sand.u32 $0x1FFFFFF0, s13;
	s0 =	sadd.s32 s14, s16;
	s13 =	rddreg [dreg:$0x10]  }
0x69: {  	s17 =	spop (v2sf);
	s1 =	sadd.s32 s26, s25;
	[smem:$0x7EE] =	sst s0  }
0x6a: {  	[tilespmem:s24], [sflag:$0x4] =	stream.linear.gather [hbm4b:s1+s4], $0x80, $0x38;
	[tilespmem:$0xA400] =	vst v63  }
0x6b: {  	s21 =	sand.u32 $0x1FFFFFF0, s17;
	s22 =	sadd.s32 s26, s15;
	s4 =	rddreg [dreg:$0xf]  }
0x6c: {  	s16 =	sadd.s32 s26, s13;
	s0 =	rddreg [dreg:$0x7];
	s23 =	spop (v2sf)  }
0x6d: {  	[smem:$0x7E7] =	sst s22;
	s25 =	sadd.s32 s14, s4;
	s2 =	spop (v2sf)  }
0x6e: {  	s4 =	smov.u32 s14;
	s20 =	sand.u32 $0x1FFFFFF0, s23;
	s3 =	spop (v2sf)  }
0x6f: {  	s17 =	sadd.s32 s14, s20;
	s30 =	sand.u32 $0x1FFFFFF0, s2;
	s8 =	spop (v2sf)  }
0x70: {  	s20 =	sand.u32 $0x1FFFFFF0, s3;
	s3 =	rddreg [dreg:$0x14];
	s22 =	sand.u32 $0x1FFFFFF0, s8  }
0x71: {  	s23 =	sadd.s32 s26, s20;
	s12 =	spop (v2sf);
	s20 =	rddreg [dreg:$0x19]  }
0x72: {  	s8 =	rddreg [dreg:$0x13];
	s28 =	sand.u32 $0x1FFFFFF0, s12;
	s15 =	spop (v2sf)  }
0x73: {  	s12 =	sshrl.u32 s3, $0x3;
	s3 =	rddreg [dreg:$0x1c];
	s13 =	spop (v2sf)  }
0x74: {  	s24 =	sand.u32 $0x1FFFFFF0, s15;
	s15 =	rddreg [dreg:$0x1a];
	s2 =	spop (v2sf)  }
0x75: {  	s8 =	sadd.s32 s4, s8;
	s14 =	sand.u32 $0x1FFFFFF0, s2;
	s2 =	rddreg [dreg:$0x1b]  }
0x76: {  	[spmem:s31], [sflag:s0] =	dma.local [hbm:s8], $0x10  }
0x77: {  	s31 =	sld [smem:$0x7F4];
	_ =	sdelay $0x1  }
0x78: {  	s1 =	simm.s32 $0x0;
	s8 =	rddreg [dreg:$0x11]  }
0x79: {  	[tilespmem:s8], [sflag:$0x1] =	stream.linear.gather [hbm4b:s31+s1], $0x80, $0x38;
	[tilespmem:$0xA400] =	vst v63  }
0x7a: {  	s8 =	rddreg [dreg:$0x1f]  }
0x7b: {  	s15 =	sadd.s32 s4, s15;
	s31 =	rddreg [dreg:$0x6]  }
0x7c: {  	[spmem:s8], [sflag:s31] =	dma.local [hbm:s15], $0x10  }
0x7d: {  	s8 =	sld [smem:$0x7F6]  }
0x7e: {  	s13 =	sand.u32 $0x1FFFFFF0, s13  }
0x7f: {  	s3 =	sshrl.u32 s3, $0x3;
	s13 =	sadd.s32 s26, s13;
	s2 =	sadd.s32 s4, s2  }
0x80: {  	[tilespmem:s8], [sflag:$0x2] =	stream.linear.gather [hbm4b:s13+s1], $0x80, $0x38;
	[tilespmem:$0xA400] =	vst v63  }
0x81: {  	[spmem:s3], [sflag:s7] =	dma.local [hbm:s2], $0x10  }
0x82: {  	s2 =	sld [smem:$0x7F5]  }
0x83: {  	s3 =	sld [smem:$0x7E2];
	_ =	sdelay $0x1  }
0x84: {  	s29 =	sshrl.u32 s29, $0x3;
	s10 =	sadd.s32 s4, s10  }
0x85: {  	[tilespmem:s2], [sflag:$0x3] =	stream.linear.gather [hbm4b:s3+s1], $0x80, $0x38;
	[tilespmem:$0xA400] =	vst v63  }
0x86: {  	[spmem:s29], [sflag:s6] =	dma.local [hbm:s10], $0x10  }
0x87: {  	s3 =	rddreg [dreg:$0x16]  }
0x88: {  	s10 =	sld [smem:$0x7E3]  }
0x89: {  	s9 =	sadd.s32 s4, s9;
	s8 =	rddreg [dreg:$0x1d]  }
0x8a: {  	[tilespmem:s3], [sflag:$0x4] =	stream.linear.gather [hbm4b:s8+s1], $0x80, $0x38;
	[tilespmem:$0xA400] =	vst v63  }
0x8b: {  	[spmem:s10], [sflag:s0] =	dma.local [hbm:s9], $0x10  }
0x8c: {  	s13 =	sld [smem:$0x7E4]  }
0x8d: {  	s18 =	sadd.s32 s26, s18;
	s19 =	sadd.s32 s4, s19;
	s2 =	rddreg [dreg:$0x12]  }
0x8e: {  	[tilespmem:s2], [sflag:$0x1] =	stream.linear.gather [hbm4b:s18+s1], $0x80, $0x38;
	[tilespmem:$0xA400] =	vst v63  }
0x8f: {  	[spmem:s13], [sflag:s31] =	dma.local [hbm:s19], $0x10  }
0x90: {  	s15 =	sld [smem:$0x7E5]  }
0x91: {  	s2 =	rddreg [dreg:$0xd]  }
0x92: {  	s21 =	sadd.s32 s4, s21;
	s18 =	rddreg [dreg:$0x18]  }
0x93: {  	[tilespmem:s2], [sflag:$0x2] =	stream.linear.gather [hbm4b:s15+s1], $0x80, $0x38;
	[tilespmem:$0xA400] =	vst v63  }
0x94: {  	[spmem:s18], [sflag:s7] =	dma.local [hbm:s21], $0x10  }
0x95: {  	s2 =	sld [smem:$0x7E6];
	_ =	sdelay $0x1  }
0x96: {  	s19 =	rddreg [dreg:$0x15]  }
0x97: {  	[tilespmem:s2], [sflag:$0x3] =	stream.linear.gather [hbm4b:s16+s1], $0x80, $0x38;
	[tilespmem:$0xA400] =	vst v63  }
0x98: {  	[spmem:s19], [sflag:s6] =	dma.local [hbm:s17], $0x10  }
0x99: {  	s2 =	sld [smem:$0x7E7];
	_ =	sdelay $0x1  }
0x9a: {  	s11 =	sadd.s32 $0x980, s11;
	s20 =	sshrl.u32 s20, $0x3;
	s22 =	sadd.s32 s4, s22  }
0x9b: {  	[tilespmem:s11], [sflag:$0x4] =	stream.linear.gather [hbm4b:s2+s1], $0x80, $0x38;
	[tilespmem:$0xA400] =	vst v63  }
0x9c: {  	[spmem:s20], [sflag:s0] =	dma.local [hbm:s22], $0x10  }
0x9d: {  	s20 =	sld [smem:$0x7E8];
	_ =	sdelay $0x1  }
0x9e: {  	s24 =	sadd.s32 s26, s24;
	s14 =	sadd.s32 s4, s14  }
0x9f: {  	[tilespmem:s20], [sflag:$0x1] =	stream.linear.gather [hbm4b:s24+s1], $0x80, $0x38;
	[tilespmem:$0xA400] =	vst v63  }
0xa0: {  	[spmem:s12], [sflag:s31] =	dma.local [hbm:s14], $0x10  }
0xa1: {  	s21 =	sld [smem:$0x7E9]  }
0xa2: {  	s22 =	sld [smem:$0x7EA]  }
0xa3: {  	s24 =	sld [smem:$0x7EB]  }
0xa4: {  	s30 =	sadd.s32 s4, s30;
	s20 =	smov.u32 s4;
	s4 =	simm.s32 $0x0  }
0xa5: {  	[tilespmem:s21], [sflag:$0x2] =	stream.linear.gather [hbm4b:s22+s4], $0x80, $0x38;
	[tilespmem:$0xA400] =	vst v63  }
0xa6: {  	[spmem:s24], [sflag:s7] =	dma.local [hbm:s25], $0x10  }
0xa7: {  	s1 =	sld [smem:$0x7EC]  }
0xa8: {  	s2 =	sld [smem:$0x7ED]  }
0xa9: {  	s3 =	sld [smem:$0x7EE];
	_ =	sdelay $0x1  }
0xaa: {  	[tilespmem:s1], [sflag:$0x3] =	stream.linear.gather [hbm4b:s23+s4], $0x80, $0x38;
	[tilespmem:$0xA400] =	vst v63  }
0xab: {  	[spmem:s2], [sflag:s6] =	dma.local [hbm:s3], $0x10  }
0xac: {  	s1 =	sld [smem:$0x7EF]  }
0xad: {  	s6 =	sld [smem:$0x7F0]  }
0xae: {  	s28 =	sadd.s32 s26, s28  }
0xaf: {  	[tilespmem:s1], [sflag:$0x4] =	stream.linear.gather [hbm4b:s28+s4], $0x80, $0x38;
	[tilespmem:$0xA400] =	vst v63  }
0xb0: {  	[spmem:s6], [sflag:s0] =	dma.local [hbm:s30], $0x10  }
0xb1: {  	s7 =	rddreg [dreg:$0xc]  }
0xb2: {  	s9 =	rddreg [dreg:$0xb];
	v0 =	vld [tilespmem:s7+$0x0]  }
0xb3: {  	v1 =	vld [tilespmem:s9+$0x0];
	_ =	sdelay $0x3  }
0xb4: {  	v0 =	vshll.u32 v0, $0x4  }
0xb5: {  	v1 =	vshll.u32 v1, $0x4;
	(v2sf) =	vpush v0, $0xE  }
0xb6: {  	(v2sf) =	vpush v1, $0x7  }
0xb7: {  	(v2sf) =	vpush v0, $0x4  }
0xb8: {  	(v2sf) =	vpush v0, $0xD  }
0xb9: {  	(v2sf) =	vpush v1, $0xA;
	_ =	sdelay $0x1  }
0xba: {  	(v2sf) =	vpush v1, $0xD;
	_ =	sdelay $0x3  }
0xbb: {  	(v2sf) =	vpush v0, $0x3;
	_ =	sdelay $0x1  }
0xbc: {  	(v2sf) =	vpush v1, $0x3;
	_ =	sdelay $0x1  }
0xbd: {  	p0 =	sne.s32 s5, $0xE000;
	s8 =	smov.u32 s5;
	s5 =	sadd.s32 $0x2000, s5  }
0xbe: {  	[dreg:$0xa] =	wrdreg s5;
	s1 =	spop (v2sf)  }
0xbf: {  	s19 =	rddreg [dreg:$0x5];
	s2 =	sadd.s32 $0x10, s9;
	(v2sf) =	vpush v0, $0x2;
	s10 =	spop (v2sf)  }
0xc0: {  	s6 =	sadd.s32 $0x10, s7;
	[dreg:$0xb] =	wrdreg s2;
	(v2sf) =	vpush v1, $0x2;
	s5 =	spop (v2sf)  }
0xc1: {  	[dreg:$0xc] =	wrdreg s6;
	s1 =	sand.u32 $0x1FFFFFF0, s1;
	s11 =	spop (v2sf)  }
0xc2: {  	[dreg:$0xe] =	wrdreg s1;
	s1 =	sand.u32 $0x1FFFFFF0, s11;
	s12 =	spop (v2sf)  }
0xc3: {  	s3 =	sand.u32 $0x1FFFFFF0, s10;
	[dreg:$0xf] =	wrdreg s1;
	s1 =	sand.u32 $0x1FFFFFF0, s12  }
0xc4: {  	(v2sf) =	vpush v1, $0x1;
	s11 =	sshra.s32 s8, $0x2;
	s13 =	spop (v2sf);
	[dreg:$0x10] =	wrdreg s1  }
0xc5: {  	(v2sf) =	vpush v1, $0x0;
	s15 =	sadd.s32 $0x600, s11;
	s17 =	sadd.s32 $0x880, s11;
	[dreg:$0x17] =	wrdreg s13  }
0xc6: {  	(v2sf) =	vpush v0, $0x0;
	s21 =	sadd.s32 $0x800, s11;
	s7 =	sadd.s32 $0x400, s11;
	[dreg:$0x11] =	wrdreg s15  }
0xc7: {  	(v2sf) =	vpush v0, $0x1;
	s9 =	sadd.s32 $0x780, s11;
	s28 =	sadd.s32 $0x480, s11;
	[dreg:$0xd] =	wrdreg s17  }
0xc8: {  	(v2sf) =	vpush v1, $0x4;
	s30 =	sadd.s32 $0x500, s11;
	s14 =	spop (v2sf);
	[dreg:$0x12] =	wrdreg s21  }
0xc9: {  	s17 =	sadd.s32 s11, s19;
	[dreg:$0x16] =	wrdreg s9;
	s0 =	sand.u32 $0x1FFFFFF0, s14  }
0xca: {  	(v2sf) =	vpush v0, $0x5;
	s16 =	spop (v2sf);
	s22 =	sadd.s32 $0x80, s17;
	s24 =	sadd.s32 $0x600, s17  }
0xcb: {  	s10 =	sadd.s32 $0x580, s17;
	s14 =	sand.u32 $0x1FFFFFF0, s5;
	[dreg:$0x13] =	wrdreg s0  }
0xcc: {  	s15 =	sadd.s32 $0x280, s17;
	s21 =	sadd.s32 $0x200, s17;
	[dreg:$0x14] =	wrdreg s24  }
0xcd: {  	s5 =	sadd.s32 $0x500, s17;
	s9 =	sadd.s32 $0x380, s17;
	[dreg:$0x19] =	wrdreg s10  }
0xce: {  	(v2sf) =	vpush v0, $0x6;
	s0 =	sand.u32 $0x1FFFFFF0, s16;
	s18 =	spop (v2sf);
	[dreg:$0x1a] =	wrdreg s14  }
0xcf: {  	s29 =	sadd.s32 $0x300, s17;
	[dreg:$0x1e] =	wrdreg s0;
	s0 =	spop (v2sf);
	(v2sf) =	vpush v1, $0x6  }
0xd0: {  	s2 =	sshrl.u32 s22, $0x3;
	[dreg:$0x1c] =	wrdreg s15;
	s10 =	sadd.s32 $0x400, s17  }
0xd1: {  	s24 =	sadd.s32 $0x580, s11;
	s14 =	sshrl.u32 s21, $0x3;
	s21 =	sshrl.u32 s5, $0x3  }
0xd2: {  	s15 =	sadd.s32 s26, s3;
	s16 =	sand.u32 $0x1FFFFFF0, s18;
	[dreg:$0x1f] =	wrdreg s14  }
0xd3: {  	s18 =	sshrl.u32 s17, $0x3;
	[dreg:$0x15] =	wrdreg s21;
	s23 =	spop (v2sf)  }
0xd4: {  	s14 =	smov.u32 s20;
	[dreg:$0x1d] =	wrdreg s15;
	s25 =	spop (v2sf)  }
0xd5: {  	s15 =	sadd.s32 $0x680, s17;
	s8 =	spop (v2sf);
	s6 =	sand.u32 $0x1FFFFFF0, s25  }
0xd6: {  	s0 =	sand.u32 $0x1FFFFFF0, s0;
	s12 =	spop (v2sf);
	s22 =	sadd.s32 s26, s6  }
0xd7: {  	s5 =	sand.u32 $0x1FFFFFF0, s8;
	s8 =	sadd.s32 $0x480, s17;
	s13 =	spop (v2sf)  }
0xd8: {  	[tilespmem:s7], [sflag:$0x1] =	stream.linear.gather [hbm4b:s22+s4], $0x80, $0x38;
	[tilespmem:$0xA400] =	vst v63  }
0xd9: {  	s21 =	sadd.s32 s20, s5;
	s20 =	sshrl.u32 s8, $0x3;
	s19 =	spop (v2sf)  }
.Ltmp0:
0xda: {  	[dreg:$0x18] =	wrdreg s20;
	s25 =	sand.u32 $0x1FFFFFF0, s19;
	(pc) =	sbr.rel @p0 .LBB2_3-.Ltmp0, $4  }
0xdb: {  	(v2sf) =	vpush v1, $0x9;
	s13 =	sand.u32 $0x1FFFFFF0, s13;
	s19 =	sadd.s32 $0x700, s11;
	[dreg:$0x1b] =	wrdreg s25  }
0xdc: {  	(v2sf) =	vpush v0, $0x7;
	s6 =	sadd.s32 s26, s13;
	s13 =	sadd.s32 $0x680, s11;
	[smem:$0x7F5] =	sst s19  }
0xdd: {  	s31 =	spop (v2sf);
	(v2sf) =	vpush v1, $0x8;
	s25 =	sadd.s32 $0x100, s17;
	[smem:$0x7F4] =	sst s6  }
0xde: {  	s19 =	sadd.s32 $0x180, s17;
	[smem:$0x7F6] =	sst s13;
	(v2sf) =	vpush v0, $0x8;
	s20 =	spop (v2sf)  }
0xdf: {  	_ =	sdelay $0x1  }
0xe0: {  	s22 =	rddreg [dreg:$0x6]  }
0xe1: {  	[spmem:s18], [sflag:s22] =	dma.local [hbm:s21], $0x10  }
0xe2: {  	(v2sf) =	vpush v1, $0xB  }
0xe3: {  	(v2sf) =	vpush v0, $0x9;
	_ =	sdelay $0x1  }
0xe4: {  	(v2sf) =	vpush v0, $0xA  }
0xe5: {  	s1 =	sand.u32 $0x1FFFFFF0, s23;
	(v2sf) =	vpush v0, $0xF  }
0xe6: {  	s1 =	sadd.s32 s26, s1;
	(v2sf) =	vpush v1, $0xE  }
0xe7: {  	[tilespmem:s28], [sflag:$0x2] =	stream.linear.gather [hbm4b:s1+s4], $0x80, $0x38;
	(v2sf) =	vpush v0, $0xB;
	[tilespmem:$0xA400] =	vst v63  }
0xe8: {  	(v2sf) =	vpush v1, $0xF;
	s13 =	spop (v2sf)  }
0xe9: {  	s0 =	sadd.s32 s26, s0;
	(v2sf) =	vpush v1, $0xC;
	s7 =	spop (v2sf)  }
0xea: {  	s18 =	sand.u32 $0x1FFFFFF0, s12;
	s23 =	rddreg [dreg:$0x8];
	(v2sf) =	vpush v1, $0x5;
	s8 =	spop (v2sf)  }
0xeb: {  	s1 =	sadd.s32 s14, s18;
	[smem:$0x7E0] =	sst s13;
	(v2sf) =	vpush v0, $0xC;
	s3 =	spop (v2sf)  }
0xec: {  	[spmem:s2], [sflag:s23] =	dma.local [hbm:s1], $0x10  }
0xed: {  	[tilespmem:s30], [sflag:$0x3] =	stream.linear.gather [hbm4b:s0+s4], $0x80, $0x38;
	[tilespmem:$0xA400] =	vst v63  }
0xee: {  	s21 =	sadd.s32 s14, s16;
	s28 =	sshrl.u32 s25, $0x3;
	s12 =	rddreg [dreg:$0x9]  }
0xef: {  	[spmem:s28], [sflag:s12] =	dma.local [hbm:s21], $0x10  }
0xf0: {  	s0 =	rddreg [dreg:$0x1e];
	s5 =	spop (v2sf)  }
0xf1: {  	s0 =	sadd.s32 s26, s0;
	s13 =	spop (v2sf)  }
0xf2: {  	[tilespmem:s24], [sflag:$0x4] =	stream.linear.gather [hbm4b:s0+s4], $0x80, $0x38;
	[tilespmem:$0xA400] =	vst v63  }
0xf3: {  	s24 =	spop (v2sf)  }
0xf4: {  	s0 =	spop (v2sf)  }
0xf5: {  	s2 =	spop (v2sf)  }
0xf6: {  	s6 =	spop (v2sf)  }
0xf7: {  	s1 =	spop (v2sf)  }
0xf8: {  	s16 =	spop (v2sf)  }
0xf9: {  	s19 =	sshrl.u32 s19, $0x3;
	s30 =	rddreg [dreg:$0x13];
	s18 =	spop (v2sf)  }
0xfa: {  	s25 =	rddreg [dreg:$0x7];
	s21 =	sadd.s32 s14, s30;
	s30 =	spop (v2sf)  }
0xfb: {  	[spmem:s19], [sflag:s25] =	dma.local [hbm:s21], $0x10  }
0xfc: {  	s21 =	sld [smem:$0x7F4];
	_ =	sdelay $0x1  }
0xfd: {  	s19 =	rddreg [dreg:$0x11]  }
0xfe: {  	[tilespmem:s19], [sflag:$0x1] =	stream.linear.gather [hbm4b:s21+s4], $0x80, $0x38;
	[tilespmem:$0xA400] =	vst v63  }
0xff: {  	s21 =	rddreg [dreg:$0x1a]  }
0x100: {  	s28 =	rddreg [dreg:$0x1f];
	s19 =	sadd.s32 s14, s21  }
0x101: {  	[spmem:s28], [sflag:s22] =	dma.local [hbm:s19], $0x10  }
0x102: {  	s19 =	sld [smem:$0x7F6]  }
0x103: {  	s18 =	sand.u32 $0x1FFFFFF0, s18;
	s21 =	rddreg [dreg:$0x1b]  }
0x104: {  	s18 =	sadd.s32 s26, s18;
	s28 =	rddreg [dreg:$0x1c]  }
0x105: {  	[tilespmem:s19], [sflag:$0x2] =	stream.linear.gather [hbm4b:s18+s4], $0x80, $0x38;
	[tilespmem:$0xA400] =	vst v63  }
0x106: {  	s18 =	sadd.s32 s14, s21;
	s19 =	sshrl.u32 s28, $0x3  }
0x107: {  	[spmem:s19], [sflag:s23] =	dma.local [hbm:s18], $0x10  }
0x108: {  	s19 =	sld [smem:$0x7F5]  }
0x109: {  	s20 =	sand.u32 $0x1FFFFFF0, s20  }
0x10a: {  	s21 =	sand.u32 $0x1FFFFFF0, s31;
	s18 =	sadd.s32 s26, s20  }
0x10b: {  	[tilespmem:s19], [sflag:$0x3] =	stream.linear.gather [hbm4b:s18+s4], $0x80, $0x38;
	[tilespmem:$0xA400] =	vst v63  }
0x10c: {  	s28 =	sshrl.u32 s29, $0x3;
	s18 =	sadd.s32 s14, s21  }
0x10d: {  	[spmem:s28], [sflag:s12] =	dma.local [hbm:s18], $0x10  }
0x10e: {  	s9 =	sshrl.u32 s9, $0x3;
	s7 =	sand.u32 $0x1FFFFFF0, s7;
	s18 =	rddreg [dreg:$0x16]  }
0x10f: {  	s7 =	sadd.s32 s14, s7;
	s29 =	sand.u32 $0x1FFFFFF0, s8;
	s19 =	rddreg [dreg:$0x1d]  }
0x110: {  	[tilespmem:s18], [sflag:$0x4] =	stream.linear.gather [hbm4b:s19+s4], $0x80, $0x38;
	[tilespmem:$0xA400] =	vst v63  }
0x111: {  	[spmem:s9], [sflag:s25] =	dma.local [hbm:s7], $0x10  }
0x112: {  	s7 =	sadd.s32 s26, s29;
	s9 =	sand.u32 $0x1FFFFFF0, s3;
	s31 =	rddreg [dreg:$0x12]  }
0x113: {  	[tilespmem:s31], [sflag:$0x1] =	stream.linear.gather [hbm4b:s7+s4], $0x80, $0x38;
	[tilespmem:$0xA400] =	vst v63  }
0x114: {  	s18 =	sshrl.u32 s10, $0x3;
	s7 =	sadd.s32 s14, s9  }
0x115: {  	[spmem:s18], [sflag:s22] =	dma.local [hbm:s7], $0x10  }
0x116: {  	s19 =	sld [smem:$0x7E0];
	_ =	sdelay $0x2  }
0x117: {  	s3 =	sand.u32 $0x1FFFFFF0, s19  }
0x118: {  	s20 =	sand.u32 $0x1FFFFFF0, s13;
	s7 =	rddreg [dreg:$0xd];
	s3 =	sadd.s32 s26, s3  }
0x119: {  	[tilespmem:s7], [sflag:$0x2] =	stream.linear.gather [hbm4b:s3+s4], $0x80, $0x38;
	[tilespmem:$0xA400] =	vst v63  }
0x11a: {  	s21 =	rddreg [dreg:$0x18];
	s3 =	sadd.s32 s14, s20  }
0x11b: {  	[spmem:s21], [sflag:s23] =	dma.local [hbm:s3], $0x10  }
0x11c: {  	s7 =	rddreg [dreg:$0x10]  }
0x11d: {  	s28 =	sadd.s32 $0x900, s11;
	s29 =	sand.u32 $0x1FFFFFF0, s24;
	s7 =	sadd.s32 s26, s7  }
0x11e: {  	[tilespmem:s28], [sflag:$0x3] =	stream.linear.gather [hbm4b:s7+s4], $0x80, $0x38;
	[tilespmem:$0xA400] =	vst v63  }
0x11f: {  	s3 =	sadd.s32 s14, s29;
	s31 =	rddreg [dreg:$0x15];
	s7 =	sand.u32 $0x1FFFFFF0, s5  }
0x120: {  	[spmem:s31], [sflag:s12] =	dma.local [hbm:s3], $0x10  }
0x121: {  	s8 =	sadd.s32 $0x980, s11;
	s3 =	sadd.s32 s26, s7  }
0x122: {  	[tilespmem:s8], [sflag:$0x4] =	stream.linear.gather [hbm4b:s3+s4], $0x80, $0x38;
	[tilespmem:$0xA400] =	vst v63  }
0x123: {  	s0 =	sand.u32 $0x1FFFFFF0, s0;
	s9 =	sand.u32 $0x1FFFFFF0, s6;
	s10 =	rddreg [dreg:$0x19]  }
0x124: {  	s13 =	sand.u32 $0x1FFFFFF0, s16;
	s3 =	sadd.s32 s14, s9;
	s5 =	sshrl.u32 s10, $0x3  }
0x125: {  	[spmem:s5], [sflag:s25] =	dma.local [hbm:s3], $0x10  }
0x126: {  	s2 =	sand.u32 $0x1FFFFFF0, s2;
	s16 =	sadd.s32 $0xA00, s11;
	s3 =	sadd.s32 s26, s13  }
0x127: {  	[tilespmem:s16], [sflag:$0x1] =	stream.linear.gather [hbm4b:s3+s4], $0x80, $0x38;
	[tilespmem:$0xA400] =	vst v63  }
0x128: {  	s2 =	sadd.s32 s26, s2;
	s18 =	sand.u32 $0x1FFFFFF0, s30;
	s19 =	rddreg [dreg:$0x14]  }
0x129: {  	s1 =	sand.u32 $0x1FFFFFF0, s1;
	s3 =	sadd.s32 s14, s18;
	s5 =	sshrl.u32 s19, $0x3  }
0x12a: {  	[spmem:s5], [sflag:s22] =	dma.local [hbm:s3], $0x10  }
0x12b: {  	s1 =	sadd.s32 s26, s1;
	s24 =	sadd.s32 $0xB00, s11;
	s3 =	rddreg [dreg:$0x17]  }
0x12c: {  	s20 =	sadd.s32 $0xA80, s11;
	s22 =	rddreg [dreg:$0xf];
	s3 =	sand.u32 $0x1FFFFFF0, s3  }
0x12d: {  	s21 =	sshrl.u32 s15, $0x3;
	s5 =	sadd.s32 s14, s22;
	s3 =	sadd.s32 s26, s3  }
0x12e: {  	[tilespmem:s20], [sflag:$0x2] =	stream.linear.gather [hbm4b:s3+s4], $0x80, $0x38;
	[tilespmem:$0xA400] =	vst v63  }
0x12f: {  	[spmem:s21], [sflag:s23] =	dma.local [hbm:s5], $0x10  }
0x130: {  	[tilespmem:s24], [sflag:$0x3] =	stream.linear.gather [hbm4b:s2+s4], $0x80, $0x38;
	[tilespmem:$0xA400] =	vst v63  }
0x131: {  	s30 =	sadd.s32 $0xB80, s11;
	s28 =	sadd.s32 $0x700, s17;
	s29 =	rddreg [dreg:$0xe]  }
0x132: {  	s31 =	sadd.s32 $0x780, s17;
	s2 =	sshrl.u32 s28, $0x3;
	s3 =	sadd.s32 s14, s29  }
0x133: {  	[spmem:s2], [sflag:s12] =	dma.local [hbm:s3], $0x10  }
0x134: {  	[tilespmem:s30], [sflag:$0x4] =	stream.linear.gather [hbm4b:s1+s4], $0x80, $0x38;
	[tilespmem:$0xA400] =	vst v63  }
0x135: {  	s0 =	sadd.s32 s14, s0;
	s1 =	sshrl.u32 s31, $0x3  }
0x136: {  	[spmem:s1], [sflag:s25] =	dma.local [hbm:s0], $0x10  }
0x137: {  	s1 =	simm.s32 $0x1  }
0x138: {  	_ =	swait.ge [sflag:s1], $0x80  }
0x139: {  	[sflag:s1] =	ssyncset.done $0x0  }
0x13a: {  	s2 =	simm.s32 $0x5;
	[sflag:s1] =	ssyncadd.s32 $0xFFFFFF80  }
0x13b: {  	_ =	swait.ge [sflag:s2], $0x10  }
0x13c: {  	[sflag:s2] =	ssyncset.done $0x0  }
0x13d: {  	s5 =	simm.s32 $0x2;
	[sflag:s2] =	ssyncadd.s32 $0xFFFFFFF0  }
0x13e: {  	_ =	swait.ge [sflag:s5], $0x80  }
0x13f: {  	[sflag:s5] =	ssyncset.done $0x0  }
0x140: {  	s6 =	simm.s32 $0x6;
	[sflag:s5] =	ssyncadd.s32 $0xFFFFFF80  }
0x141: {  	_ =	swait.ge [sflag:s6], $0x10  }
0x142: {  	[sflag:s6] =	ssyncset.done $0x0  }
0x143: {  	s7 =	simm.s32 $0x3;
	[sflag:s6] =	ssyncadd.s32 $0xFFFFFFF0  }
0x144: {  	_ =	swait.ge [sflag:s7], $0x80  }
0x145: {  	[sflag:s7] =	ssyncset.done $0x0  }
0x146: {  	s8 =	simm.s32 $0x7;
	[sflag:s7] =	ssyncadd.s32 $0xFFFFFF80  }
0x147: {  	_ =	swait.ge [sflag:s8], $0x10  }
0x148: {  	[sflag:s8] =	ssyncset.done $0x0  }
0x149: {  	s9 =	simm.s32 $0x4;
	[sflag:s8] =	ssyncadd.s32 $0xFFFFFFF0  }
0x14a: {  	_ =	swait.ge [sflag:s9], $0x80  }
0x14b: {  	[sflag:s9] =	ssyncset.done $0x0  }
0x14c: {  	s10 =	simm.s32 $0x8;
	[sflag:s9] =	ssyncadd.s32 $0xFFFFFF80  }
0x14d: {  	_ =	swait.ge [sflag:s10], $0x10  }
0x14e: {  	s0 =	simm.s32 $0x1F;
	[sflag:s10] =	ssyncset.done $0x0  }
.LBB2_5:
0x14f: {  	p0 =	sne.s32 s0, $0x1;
	s0 =	sadd.s32 $0xFFFFFFFF, s0;
	[sflag:s10] =	ssyncadd.s32 $0xFFFFFFF0  }
0x150: {  	_ =	swait.ge [sflag:s1], $0x80  }
0x151: {  	[sflag:s1] =	ssyncset.done $0x0  }
0x152: {  	[sflag:s1] =	ssyncadd.s32 $0xFFFFFF80  }
0x153: {  	_ =	swait.ge [sflag:s2], $0x10  }
0x154: {  	[sflag:s2] =	ssyncset.done $0x0  }
0x155: {  	[sflag:s2] =	ssyncadd.s32 $0xFFFFFFF0  }
0x156: {  	_ =	swait.ge [sflag:s5], $0x80  }
0x157: {  	[sflag:s5] =	ssyncset.done $0x0  }
0x158: {  	[sflag:s5] =	ssyncadd.s32 $0xFFFFFF80  }
0x159: {  	_ =	swait.ge [sflag:s6], $0x10  }
0x15a: {  	[sflag:s6] =	ssyncset.done $0x0  }
0x15b: {  	[sflag:s6] =	ssyncadd.s32 $0xFFFFFFF0  }
0x15c: {  	_ =	swait.ge [sflag:s7], $0x80  }
0x15d: {  	[sflag:s7] =	ssyncset.done $0x0  }
0x15e: {  	[sflag:s7] =	ssyncadd.s32 $0xFFFFFF80  }
0x15f: {  	_ =	swait.ge [sflag:s8], $0x10  }
0x160: {  	[sflag:s8] =	ssyncset.done $0x0  }
0x161: {  	[sflag:s8] =	ssyncadd.s32 $0xFFFFFFF0  }
.Ltmp1:
0x162: {  	_ =	swait.ge [sflag:s9], $0x80;
	(pc) =	sbr.rel @p0 .LBB2_5-.Ltmp1, $4  }
0x163: {  	[sflag:s9] =	ssyncset.done $0x0  }
0x164: {  	[sflag:s9] =	ssyncadd.s32 $0xFFFFFF80  }
0x165: {  	_ =	swait.ge [sflag:s10], $0x10  }
0x166: {  	[sflag:s10] =	ssyncset.done $0x0  }
0x167: {  	[sflag:s10] =	ssyncadd.s32 $0xFFFFFFF0  }
0x168: {  	s8 =	rddreg [dreg:$0x5];
	s5 =	simm.s32 $0x4400;
	s2 =	simm.s32 $0xA  }
0x169: {  	[tilespmem:s5], [sflag:$0xA] =	stream.linear.gather [spmem:s8], $0x4000, $0x38;
	[tilespmem:$0xA400] =	vst v63  }
0x16a: {  	_ =	swait.ge [sflag:s2], $0x4000  }
0x16b: {  	s6 =	sld [smem:$0x7F1]  }
0x16c: {  	s1 =	sld [smem:$0x7FC]  }
0x16d: {  	s24 =	sld [smem:$0x7F8]  }
0x16e: {  	s0 =	sshll.u32 s6, $0xB  }
0x16f: {  	[sflag:s2] =	ssyncset.done $0x0;
	s28 =	sld [smem:$0x7F9];
	s0 =	sadd.s32 s1, s0  }
0x170: {  	s25 =	simm.s32 $0x400;
	[sflag:s2] =	ssyncadd.s32 $0xFFFFC000;
	s1 =	sadd.s32 s24, s0  }
0x171: {  	[hbm4b:s1+s4] =	stream.linear.scatter [tilespmem:s25], [sflag:$0x9], $0x4000, $0x38;
	[tilespmem:$0xA400] =	vst v63  }
0x172: {  	s29 =	simm.s32 $0x9;
	s0 =	sadd.s32 s28, s0  }
0x173: {  	[hbm4b:s0+s4] =	stream.linear.scatter [tilespmem:s5], [sflag:$0x9], $0x4000, $0x38;
	[tilespmem:$0xA400] =	vst v63  }
0x174: {  	_ =	swait.ge [sflag:s29], $0x4000  }
0x175: {  	[sflag:s29] =	ssyncset.done $0x0  }
0x176: {  	s6 =	sadd.s32 $0x1, s6;
	[sflag:s29] =	ssyncadd.s32 $0xFFFFC000  }
0x177: {  	p0 =	sne.s32 s6, $0x4;
	_ =	swait.ge [sflag:s29], $0x4000  }
.Ltmp2:
0x178: {  	s30 =	sld [smem:$0x7F3];
	(pc) =	sbr.rel @p0 .LBB2_2-.Ltmp2, $3  }
0x179: {  	s31 =	sld [smem:$0x7F2];
	_ =	sdelay $0x1  }
0x17a: {  	[sflag:s29] =	ssyncset.done $0x0  }
0x17b: {  	[sflag:s29] =	ssyncadd.s32 $0xFFFFC000;
	s2 =	sadd.s32 $0x80, s30;
	s10 =	sadd.s32 $0x80, s31  }
0x17c: {  	s1 =	sld [smem:$0x7F7]  }
0x17d: {  	s0 =	sld [smem:$0x7FD];
	_ =	sdelay $0x1  }
0x17e: {  	s1 =	sadd.s32 $0x1, s1  }
0x17f: {  	p0 =	sne.s32 s1, s0  }
.Ltmp3:
0x180: {  	_ = 	snop;
	(pc) =	sbr.rel @p0 .LBB2_1-.Ltmp3, $1  }
0x181: {  	_ =	sdelay $0x3  }
0x182: {  	_ =	sfence.sel $0x180000  }
0x183: {  	[bflag:$0x0] =	sbarrier.arrive $0xFFFF  }
0x184: {  	_ =	strace $0x90000047  }
0x185: {  	s0 =	stileid.u32;
	[bflag:$0x2] =	sbarrier.arrive $0xFFFF  }
0x186: {  	p0 =	sne.s32 s0, $0x0;
	s0 =	rddreg [dreg:$0x4]  }
0x187: {  	s0 =	sadd.s32 @!p0 $0x100000, s0  }
0x188: {  	[sflag:s0] =	ssyncadd.tile.s32 @!p0 $0x1;
	_ =	shalt  }
.Lfunc_end2:
_tile_overlayer_lowered:
.L_overlay_start_2:
0x189: {  	(tag) =	ssettag $0x2  }
0x18a: {  	s0 =	rddreg [dreg:$0x0];
	s2 =	stileid.u32  }
0x18b: {  	s1 =	rddreg [dreg:$0x1];
	p0 =	sne.s32 s2, $0x0  }
0x18c: {  	s3 =	rddreg [dreg:$0x2];
	[bflag:$0x3] =	sbarrier.arrive $0xFFFF;
	s2 =	simm.s32 @!p0 $0x1C0A  }
0x18d: {  	[timem:s3], [sflag:s2] =	dma.local @!p0 [hbm:s0], s1  }
0x18e: {  	s0 =	simm.s32 @!p0 $0xA  }
0x18f: {  	_ =	swait.ge @!p0 [sflag:s0], s1  }
0x190: {  	s1 =	ssub.s32 @!p0 $0x0, s1;
	[sflag:s0] =	ssyncset.done @!p0 $0x0  }
0x191: {  	[sflag:s0] =	ssyncadd.s32 @!p0 s1  }
0x192: {  	[bflag:$0x3] =	sbarrier.arrive $0xFFFF  }
0x193: {  	_ =	shalt  }

</sc_bundles>
